<compile_context>
chip_gen: v7x
topology: tpu7x:2x2x1
jax: 0.10.2.dev20260603
libtpu: 0.0.44.dev20260713+nightly
codegen_flags: <defaults>
</compile_context>

<pallas_src>
import functools

import jax
import jax.numpy as jnp
from jax import lax
from jax.experimental import pallas as pl
from jax.experimental.pallas import tpu as pltpu
from jax.experimental.pallas import tpu_sc as plsc

_NC = 2
_NS = 16
_G = 64


def _npad(n):
    return -(-(n + 1) // 256) * 256


def _sc_boundaries(dst, n):
    e = dst.shape[0]
    npad = _npad(n)
    eb = e // _NS
    gb = eb // 16
    npt = npad // _NS
    mesh = plsc.VectorSubcoreMesh(core_axis_name="c", subcore_axis_name="s")

    @functools.partial(
        pl.kernel,
        out_type=(
            jax.ShapeDtypeStruct((npad,), jnp.int32),
            jax.ShapeDtypeStruct((npad,), jnp.float32),
        ),
        mesh=mesh,
        scratch_types=[
            pltpu.VMEM_SHARED((_NS, npad), jnp.int32),
            pltpu.VMEM((eb + 32,), jnp.int32),
            pltpu.VMEM((npad,), jnp.int32),
            pltpu.VMEM((npad,), jnp.int32),
            pltpu.VMEM((_NS, npt), jnp.int32),
            pltpu.VMEM((npt,), jnp.int32),
            pltpu.VMEM((npt,), jnp.float32),
        ],
        compiler_params=pltpu.CompilerParams(needs_layout_passes=False),
    )
    def k(dst_hbm, thr_hbm, cnt_hbm, st_sh, dstb2, stl, enl, mrg, thrt, cntt):
        c = lax.axis_index("c")
        s = lax.axis_index("s")
        iota = lax.iota(jnp.int32, 16)
        neg1 = jnp.full((16,), -1, jnp.int32)

        b0 = s * eb
        pltpu.sync_copy(dst_hbm.at[pl.ds(b0, eb)], dstb2.at[pl.ds(16, eb)])

        @pl.when(s == 0)
        def _():
            dstb2[pl.ds(0, 16)] = neg1

        @pl.when(s > 0)
        def _():
            pltpu.sync_copy(dst_hbm.at[pl.ds(b0 - 16, 16)],
                            dstb2.at[pl.ds(0, 16)])

        def init_body(i, carry):
            stl[pl.ds(i * 16, 16)] = neg1
            enl[pl.ds(i * 16, 16)] = neg1
            return carry

        lax.fori_loop(0, npad // 16, init_body, 0)

        def bound_body(g, carry):
            o = g * 16
            cur = dstb2[pl.ds(o + 16, 16)]
            prev = plsc.load_gather(dstb2, [o + 15 + iota])
            cmp = cur != prev
            ev = b0 + o + iota
            plsc.store_scatter(stl, [cur], ev, mask=cmp)
            plsc.store_scatter(enl, [prev], ev, mask=cmp & (prev >= 0))
            return carry

        lax.fori_loop(0, gb, bound_body, 0)

        @pl.when(s == _NS - 1)
        def _():
            lastv = dstb2[pl.ds(eb, 16)]
            plsc.store_scatter(enl, [lastv],
                               jnp.full((16,), e, jnp.int32),
                               mask=iota == 15)

        pltpu.sync_copy(stl, st_sh.at[s])
        plsc.subcore_barrier()
        pltpu.sync_copy(st_sh.at[:, pl.ds(s * npt, npt)], mrg)

        def merge_start(g, carry):
            m = neg1
            for t in range(_NS):
                m = jnp.maximum(m, mrg[t, pl.ds(g * 16, 16)])
            thrt[pl.ds(g * 16, 16)] = m
            return carry

        lax.fori_loop(0, npt // 16, merge_start, 0)
        plsc.subcore_barrier()
        pltpu.sync_copy(enl, st_sh.at[s])
        plsc.subcore_barrier()
        pltpu.sync_copy(st_sh.at[:, pl.ds(s * npt, npt)], mrg)

        def merge_fin(g, carry):
            m = neg1
            for t in range(_NS):
                m = jnp.maximum(m, mrg[t, pl.ds(g * 16, 16)])
            start = thrt[pl.ds(g * 16, 16)]
            q = lax.shift_right_arithmetic(m - start + 1, 1)
            thrt[pl.ds(g * 16, 16)] = start + q
            cntt[pl.ds(g * 16, 16)] = q.astype(jnp.float32)
            return carry

        lax.fori_loop(0, npt // 16, merge_fin, 0)

        @pl.when(c == 0)
        def _():
            pltpu.sync_copy(thrt, thr_hbm.at[pl.ds(s * npt, npt)])
            pltpu.sync_copy(cntt, cnt_hbm.at[pl.ds(s * npt, npt)])

    return k(dst)


def _sc_aggregate(x, src, dst, thr, zrows):
    n, d = x.shape
    e = src.shape[0]
    npad = thr.shape[0]
    nw = _NC * _NS
    ec = e // nw
    rpt = npad // _NS
    mesh = plsc.VectorSubcoreMesh(core_axis_name="c", subcore_axis_name="s")

    @functools.partial(
        pl.kernel,
        out_type=jax.ShapeDtypeStruct((_NC, npad, d), jnp.float32),
        mesh=mesh,
        scratch_types=[
            pltpu.VMEM_SHARED((npad, d), jnp.float32),
            pltpu.VMEM((ec + 16 + _G,), jnp.int32),
            pltpu.VMEM((ec + 16 + _G,), jnp.int32),
            pltpu.VMEM((npad,), jnp.int32),
            pltpu.VMEM((_G, d), jnp.float32),
            pltpu.VMEM((_G, d), jnp.float32),
            pltpu.VMEM((_G,), jnp.int32),
            pltpu.VMEM((_G,), jnp.int32),
            pltpu.SemaphoreType.DMA,
            pltpu.SemaphoreType.DMA,
        ],
        compiler_params=pltpu.CompilerParams(needs_layout_passes=False),
    )
    def k(x_hbm, src_hbm, dst_hbm, thr_hbm, z_hbm, out_hbm,
          acc, srcb, dstb, thrb, rowsa, rowsb, dstia, dstib, sema, semb):
        c = lax.axis_index("c")
        s = lax.axis_index("s")
        w = c * _NS + s
        iota = lax.iota(jnp.int32, 16)
        e0 = w * ec
        d0 = pltpu.async_copy(z_hbm, acc.at[pl.ds(s * rpt, rpt)], sema)
        d1 = pltpu.async_copy(src_hbm.at[pl.ds(e0, ec)],
                              srcb.at[pl.ds(0, ec)], sema)
        d2 = pltpu.async_copy(dst_hbm.at[pl.ds(e0, ec)],
                              dstb.at[pl.ds(0, ec)], sema)
        d3 = pltpu.async_copy(thr_hbm, thrb, sema)
        d0.wait()
        d1.wait()
        d2.wait()
        d3.wait()
        plsc.subcore_barrier()

        def compact(g, wptr):
            off = g * 16
            dv = dstb[pl.ds(off, 16)]
            tv = plsc.load_gather(thrb, [dv])
            sel = (e0 + off + iota) < tv
            plsc.store_compressed(srcb.at[pl.ds(wptr, 16)],
                                  srcb[pl.ds(off, 16)], mask=sel)
            plsc.store_compressed(dstb.at[pl.ds(wptr, 16)], dv, mask=sel)
            return wptr + jnp.sum(sel.astype(jnp.int32))

        nsel = lax.fori_loop(0, ec // 16, compact, jnp.int32(0))
        nbs = lax.div(nsel + (_G - 1), _G)
        for j in range(_G // 16 + 1):
            plsc.store_scatter(dstb, [nsel + j * 16 + iota],
                               jnp.full((16,), n, jnp.int32))

        def fire(b, rows, sem):
            return pltpu.async_copy(x_hbm.at[srcb.at[pl.ds(b * _G, _G)]],
                                    rows, sem)

        def prep(b, dsti):
            for j in range(_G // 16):
                dsti[pl.ds(j * 16, 16)] = dstb[pl.ds(b * _G + j * 16, 16)]

        @pl.when(nbs > 0)
        def _():
            fire(0, rowsa, sema)

        def pipe(i, carry):
            b = 2 * i

            @pl.when(b + 1 < nbs)
            def _():
                fire(b + 1, rowsb, semb)

            prep(b, dstia)
            pltpu.make_async_copy(x_hbm.at[srcb.at[pl.ds(b * _G, _G)]],
                                  rowsa, sema).wait()
            pltpu.sync_copy(rowsa, acc.at[dstia], add=True)

            @pl.when(b + 1 < nbs)
            def _():
                @pl.when(b + 2 < nbs)
                def _():
                    fire(b + 2, rowsa, sema)

                prep(b + 1, dstib)
                pltpu.make_async_copy(x_hbm.at[srcb.at[pl.ds(b * _G, _G)]],
                                      rowsb, semb).wait()
                pltpu.sync_copy(rowsb, acc.at[dstib], add=True)

            return carry

        lax.fori_loop(0, lax.div(nbs + 1, 2), pipe, 0)
        plsc.subcore_barrier()
        pltpu.sync_copy(acc.at[pl.ds(s * rpt, rpt)],
                        out_hbm.at[c, pl.ds(s * rpt, rpt)])

    return k(x, src, dst, thr, zrows)


def _tc_finish(x, spair, cnt, w_lin, b_lin):
    n, d = x.shape
    blk = 1000

    def body(x_ref, s0_ref, s1_ref, c_ref, w_ref, b_ref, o_ref):
        svec = s0_ref[0] + s1_ref[0]
        r = 0.5 / jnp.maximum(c_ref[...], 1.0)
        h = x_ref[...] + svec * r
        o_ref[...] = (
            jnp.dot(h, w_ref[...], preferred_element_type=jnp.float32)
            + b_ref[...]
        )

    return pl.pallas_call(
        body,
        grid=(n // blk,),
        in_specs=[
            pl.BlockSpec((blk, d), lambda i: (i, 0)),
            pl.BlockSpec((1, blk, d), lambda i: (0, i, 0)),
            pl.BlockSpec((1, blk, d), lambda i: (1, i, 0)),
            pl.BlockSpec((blk, 1), lambda i: (i, 0)),
            pl.BlockSpec((d, d), lambda i: (0, 0)),
            pl.BlockSpec((1, d), lambda i: (0, 0)),
        ],
        out_specs=pl.BlockSpec((blk, d), lambda i: (i, 0)),
        out_shape=jax.ShapeDtypeStruct((n, d), jnp.float32),
    )(x, spair, spair, cnt, w_lin, b_lin)


def kernel(x, edge_index, W_mlp, b_mlp, W_lin, b_lin):
    del W_mlp, b_mlp
    n, d = x.shape
    src = edge_index[0].astype(jnp.int32)
    dst = edge_index[1].astype(jnp.int32)

    thr, cnt = _sc_boundaries(dst, n)
    zrows = jnp.zeros((_npad(n) // _NS, d), jnp.float32)
    spair = _sc_aggregate(x, src, dst, thr, zrows)

    return _tc_finish(x, spair, cnt[:, None], W_lin, b_lin[None, :])

# --- scband reference (transcript-rebuilt; emitter-appended) ---
"""Pipeline reference for scband-careconv-21045339750810 (READ-ONLY COPY).

The authoritative reference and input builder live on the scoring server;
editing this copy changes nothing except your own understanding.
"""

import jax, jax.numpy as jnp
import numpy as np

N = 10000
E = 320000
D = 128
P = 0.5

def setup_inputs(seed: int = 0) -> dict:
    key = jax.random.key(seed)
    k1, k2, k3, k4, k5 = jax.random.split(key, 5)
    x = jax.random.normal(k1, (N, D), dtype=jnp.float32)
    src = jax.random.randint(k2, (E,), 0, N)
    # DGL CSR-style layout: edges grouped contiguously by destination node in node order
    dst = jnp.sort(jax.random.randint(k3, (E,), 0, N))
    edge_index = jnp.stack([src, dst], axis=0)
    W_mlp = jax.random.normal(k4, (D, 2), dtype=jnp.float32) * (1.0 / np.sqrt(D))
    b_mlp = jnp.zeros((2,), dtype=jnp.float32)
    W_lin = jax.random.normal(k5, (D, D), dtype=jnp.float32) * (1.0 / np.sqrt(D))
    b_lin = jnp.zeros((D,), dtype=jnp.float32)
    return {"x": x, "edge_index": edge_index, "W_mlp": W_mlp, "b_mlp": b_mlp, "W_lin": W_lin, "b_lin": b_lin}


def reference(x, edge_index, W_mlp, b_mlp, W_lin, b_lin):
    src = edge_index[0]
    dst = edge_index[1]
    n = x.shape[0]
    h = x
    # _calc_distance: L1 distance between tanh(MLP(src)) and tanh(MLP(dst)) per edge
    z = jnp.tanh(h @ W_mlp + b_mlp)
    d = jnp.sum(jnp.abs(z[src] - z[dst]), axis=1)
    # _top_p_sampling: for each dst node take the first ceil(in_deg * p) edges of its
    # contiguous in-edge block (the argsort over that slice only reorders the same set,
    # and mean aggregation is order-invariant).
    in_deg = jnp.bincount(dst, length=n)
    num_neigh = jnp.ceil(in_deg.astype(jnp.float32) * P).astype(in_deg.dtype)
    prefix = jnp.concatenate([jnp.zeros((1,), dtype=in_deg.dtype), jnp.cumsum(in_deg)[:-1]])
    pos = jnp.arange(dst.shape[0]) - prefix[dst]
    mask = (pos < num_neigh[dst]).astype(x.dtype)
    # send_and_recv(copy_u('h','m'), mean('m','h')): mean of selected source features per dst
    msg = h[src] * mask[:, None]
    s = jax.ops.segment_sum(msg, dst, num_segments=n)
    cnt = jax.ops.segment_sum(mask, dst, num_segments=n)
    hr = jnp.where(cnt[:, None] > 0, s / jnp.maximum(cnt, 1.0)[:, None], 0.0)
    # single etype, p=0.5; activation is None
    h_homo = P * hr + h
    return h_homo @ W_lin + b_lin

if __name__ == "__main__":
    import jax
    _d = setup_inputs()
    print(jax.jit(kernel)(*tuple(_d.values())))

</pallas_src>

<mosaic_0001>
#map = affine_map<(d0, d1) -> (0, 0)>
#map1 = affine_map<(d0, d1) -> (0)>
#map2 = affine_map<(d0, d1) -> (0, 0, 0)>
module attributes {stable_mosaic.version = 14 : i64} {
  func.func @k(%arg0: i32, %arg1: i32, %arg2: memref<10000x128xf32, #tpu.memory_space<hbm>>, %arg3: memref<320000xi32, #tpu.memory_space<hbm>>, %arg4: memref<320000xi32, #tpu.memory_space<hbm>>, %arg5: memref<10240xi32, #tpu.memory_space<hbm>>, %arg6: memref<640x128xf32, #tpu.memory_space<hbm>>, %arg7: memref<2x10240x128xf32, #tpu.memory_space<hbm>>, %arg8: memref<10240x128xf32, #tpu.memory_space<vmem_shared>>, %arg9: memref<10080xi32, #tpu.memory_space<vmem>>, %arg10: memref<10080xi32, #tpu.memory_space<vmem>>, %arg11: memref<10240xi32, #tpu.memory_space<vmem>>, %arg12: memref<64x128xf32, #tpu.memory_space<vmem>>, %arg13: memref<64x128xf32, #tpu.memory_space<vmem>>, %arg14: memref<64xi32, #tpu.memory_space<vmem>>, %arg15: memref<64xi32, #tpu.memory_space<vmem>>, %arg16: memref<!tpu.dma_semaphore, #tpu.memory_space<semaphore_mem>>, %arg17: memref<!tpu.dma_semaphore, #tpu.memory_space<semaphore_mem>>) attributes {dimension_semantics = [#tpu.dimension_semantics<core_parallel>, #tpu.dimension_semantics<subcore_parallel>], iteration_bounds = array<i64: 2, 16>, scalar_prefetch = 0 : i64, scratch_operands = 10 : i64, tpu.core_type = #tpu.core_type<sc_vector_subcore>, window_params = [{transform_indices = #map}, {transform_indices = #map1}, {transform_indices = #map1}, {transform_indices = #map1}, {transform_indices = #map}, {transform_indices = #map2}]} {
    %mul3A = arith.constant 16 : i32
    %mul3A_0 = arith.muli %arg0, %mul3A : i32
    %add3A = arith.addi %mul3A_0, %arg1 : i32
    %iota3A = tpu.iota {dimensions = array<i32: 0>} : vector<16xi32>
    %mul3A_1 = arith.constant 10000 : i32
    %mul3A_2 = arith.muli %add3A, %mul3A_1 : i32
    %mul3A_3 = arith.constant 640 : i32
    %mul3A_4 = arith.muli %arg1, %mul3A_3 : i32
    %dma_start3A = arith.constant 0 : i32
    %dma_start3A_5 = tpu.memref_slice %arg8[%mul3A_4, %dma_start3A] : memref<10240x128xf32, #tpu.memory_space<vmem_shared>> -> memref<640x128xf32, #tpu.memory_space<vmem_shared>>
    tpu.enqueue_dma source(%arg6 : memref<640x128xf32, #tpu.memory_space<hbm>>) target(%dma_start3A_5 : memref<640x128xf32, #tpu.memory_space<vmem_shared>>) target_semaphore(%arg16 : memref<!tpu.dma_semaphore, #tpu.memory_space<semaphore_mem>>)
    %dma_start3A_6 = arith.constant 0 : i32
    %dma_start3A_7 = tpu.memref_slice %arg9[%dma_start3A_6] : memref<10080xi32, #tpu.memory_space<vmem>> -> memref<10000xi32, #tpu.memory_space<vmem>>
    %dma_start3A_8 = tpu.memref_slice %arg3[%mul3A_2] : memref<320000xi32, #tpu.memory_space<hbm>> -> memref<10000xi32, #tpu.memory_space<hbm>>
    %dma_start3A_9 = arith.constant 0 : i32
    %dma_start3A_10 = tpu.memref_slice %arg9[%dma_start3A_9] : memref<10080xi32, #tpu.memory_space<vmem>> -> memref<10000xi32, #tpu.memory_space<vmem>>
    %dma_start3A_11 = tpu.memref_slice %arg3[%mul3A_2] : memref<320000xi32, #tpu.memory_space<hbm>> -> memref<10000xi32, #tpu.memory_space<hbm>>
    tpu.enqueue_dma source(%dma_start3A_11 : memref<10000xi32, #tpu.memory_space<hbm>>) target(%dma_start3A_10 : memref<10000xi32, #tpu.memory_space<vmem>>) target_semaphore(%arg16 : memref<!tpu.dma_semaphore, #tpu.memory_space<semaphore_mem>>)
    %dma_start3A_12 = arith.constant 0 : i32
    %dma_start3A_13 = tpu.memref_slice %arg10[%dma_start3A_12] : memref<10080xi32, #tpu.memory_space<vmem>> -> memref<10000xi32, #tpu.memory_space<vmem>>
    %dma_start3A_14 = tpu.memref_slice %arg4[%mul3A_2] : memref<320000xi32, #tpu.memory_space<hbm>> -> memref<10000xi32, #tpu.memory_space<hbm>>
    %dma_start3A_15 = arith.constant 0 : i32
    %dma_start3A_16 = tpu.memref_slice %arg10[%dma_start3A_15] : memref<10080xi32, #tpu.memory_space<vmem>> -> memref<10000xi32, #tpu.memory_space<vmem>>
    %dma_start3A_17 = tpu.memref_slice %arg4[%mul3A_2] : memref<320000xi32, #tpu.memory_space<hbm>> -> memref<10000xi32, #tpu.memory_space<hbm>>
    tpu.enqueue_dma source(%dma_start3A_17 : memref<10000xi32, #tpu.memory_space<hbm>>) target(%dma_start3A_16 : memref<10000xi32, #tpu.memory_space<vmem>>) target_semaphore(%arg16 : memref<!tpu.dma_semaphore, #tpu.memory_space<semaphore_mem>>)
    tpu.enqueue_dma source(%arg5 : memref<10240xi32, #tpu.memory_space<hbm>>) target(%arg11 : memref<10240xi32, #tpu.memory_space<vmem>>) target_semaphore(%arg16 : memref<!tpu.dma_semaphore, #tpu.memory_space<semaphore_mem>>)
    %dma_wait3A = arith.constant 0 : i32
    %dma_wait3A_18 = tpu.memref_slice %arg8[%mul3A_4, %dma_wait3A] : memref<10240x128xf32, #tpu.memory_space<vmem_shared>> -> memref<640x128xf32, #tpu.memory_space<vmem_shared>>
    tpu.wait_dma2 semaphore(%arg16 : memref<!tpu.dma_semaphore, #tpu.memory_space<semaphore_mem>>) src(%arg6 : memref<640x128xf32, #tpu.memory_space<hbm>>) dst(%dma_wait3A_18 : memref<640x128xf32, #tpu.memory_space<vmem_shared>>)
    %dma_wait3A_19 = arith.constant 0 : i32
    %dma_wait3A_20 = tpu.memref_slice %arg9[%dma_wait3A_19] : memref<10080xi32, #tpu.memory_space<vmem>> -> memref<10000xi32, #tpu.memory_space<vmem>>
    %dma_wait3A_21 = tpu.memref_slice %arg3[%mul3A_2] : memref<320000xi32, #tpu.memory_space<hbm>> -> memref<10000xi32, #tpu.memory_space<hbm>>
    %dma_wait3A_22 = arith.constant 0 : i32
    %dma_wait3A_23 = tpu.memref_slice %arg9[%dma_wait3A_22] : memref<10080xi32, #tpu.memory_space<vmem>> -> memref<10000xi32, #tpu.memory_space<vmem>>
    %dma_wait3A_24 = tpu.memref_slice %arg3[%mul3A_2] : memref<320000xi32, #tpu.memory_space<hbm>> -> memref<10000xi32, #tpu.memory_space<hbm>>
    tpu.wait_dma2 semaphore(%arg16 : memref<!tpu.dma_semaphore, #tpu.memory_space<semaphore_mem>>) src(%dma_wait3A_24 : memref<10000xi32, #tpu.memory_space<hbm>>) dst(%dma_wait3A_23 : memref<10000xi32, #tpu.memory_space<vmem>>)
    %dma_wait3A_25 = arith.constant 0 : i32
    %dma_wait3A_26 = tpu.memref_slice %arg10[%dma_wait3A_25] : memref<10080xi32, #tpu.memory_space<vmem>> -> memref<10000xi32, #tpu.memory_space<vmem>>
    %dma_wait3A_27 = tpu.memref_slice %arg4[%mul3A_2] : memref<320000xi32, #tpu.memory_space<hbm>> -> memref<10000xi32, #tpu.memory_space<hbm>>
    %dma_wait3A_28 = arith.constant 0 : i32
    %dma_wait3A_29 = tpu.memref_slice %arg10[%dma_wait3A_28] : memref<10080xi32, #tpu.memory_space<vmem>> -> memref<10000xi32, #tpu.memory_space<vmem>>
    %dma_wait3A_30 = tpu.memref_slice %arg4[%mul3A_2] : memref<320000xi32, #tpu.memory_space<hbm>> -> memref<10000xi32, #tpu.memory_space<hbm>>
    tpu.wait_dma2 semaphore(%arg16 : memref<!tpu.dma_semaphore, #tpu.memory_space<semaphore_mem>>) src(%dma_wait3A_30 : memref<10000xi32, #tpu.memory_space<hbm>>) dst(%dma_wait3A_29 : memref<10000xi32, #tpu.memory_space<vmem>>)
    tpu.wait_dma2 semaphore(%arg16 : memref<!tpu.dma_semaphore, #tpu.memory_space<semaphore_mem>>) src(%arg5 : memref<10240xi32, #tpu.memory_space<hbm>>) dst(%arg11 : memref<10240xi32, #tpu.memory_space<vmem>>)
    %barrier3A = arith.constant 0 : index
    tpu.barrier barrier_id(%barrier3A)
    %scan3A = arith.constant 0 : i32
    %scan3A_31 = arith.constant 0 : i32
    %scan3A_32 = arith.constant 625 : i32
    %scan3A_33 = arith.addi %scan3A_31, %scan3A_32 : i32
    %scan3A_34 = arith.constant 1 : i32
    %scan3A_35 = scf.for %scan3A_89 = %scan3A_31 to %scan3A_33 step %scan3A_34 iter_args(%scan3A_90 = %scan3A) -> (i32)  : i32 {
      %mul3A_91 = arith.constant 16 : i32
      %mul3A_92 = arith.muli %scan3A_89, %mul3A_91 : i32
      %get3A = arith.index_cast %mul3A_92 : i32 to index
      %get3A_93 = tpu.vector_load %arg10[%get3A] {strides = array<i32>} : memref<10080xi32, #tpu.memory_space<vmem>>, vector<16xi32>,
      %gather3A = tpu.vector_load_idx %arg11[%get3A_93] : memref<10240xi32, #tpu.memory_space<vmem>>[vector<16xi32>], vector<16xi32>,
      %add3A_94 = arith.addi %mul3A_2, %mul3A_92 : i32
      %add3A_95 = vector.broadcast %add3A_94 : i32 to vector<16xi32>
      %add3A_96 = arith.addi %add3A_95, %iota3A : vector<16xi32>
      %lt3A = arith.cmpi slt, %add3A_96, %gather3A : vector<16xi32>
      %get3A_97 = arith.index_cast %mul3A_92 : i32 to index
      %get3A_98 = tpu.vector_load %arg9[%get3A_97] {strides = array<i32>} : memref<10080xi32, #tpu.memory_space<vmem>>, vector<16xi32>,
      %swap3A = arith.index_cast %scan3A_90 : i32 to index
      %swap3A_99 = tpu.vector_load %arg9[%swap3A] masked %lt3A {strides = array<i32>} : memref<10080xi32, #tpu.memory_space<vmem>>, vector<16xi32>, vector<16xi1>
      tpu.vector_store %arg9[%swap3A], %get3A_98 masked %lt3A {strides = array<i32>} : memref<10080xi32, #tpu.memory_space<vmem>>, vector<16xi32>, vector<16xi1>
      %swap3A_100 = arith.index_cast %scan3A_90 : i32 to index
      %swap3A_101 = tpu.vector_load %arg10[%swap3A_100] masked %lt3A {strides = array<i32>} : memref<10080xi32, #tpu.memory_space<vmem>>, vector<16xi32>, vector<16xi1>
      tpu.vector_store %arg10[%swap3A_100], %get3A_93 masked %lt3A {strides = array<i32>} : memref<10080xi32, #tpu.memory_space<vmem>>, vector<16xi32>, vector<16xi1>
      %convert_element_type3A_102 = arith.extui %lt3A : vector<16xi1> to vector<16xi32>
      %reduce_sum3A = arith.constant true
      %reduce_sum3A_103 = vector.broadcast %reduce_sum3A : i1 to vector<16xi1>
      %reduce_sum3A_104 = tpu.scan <sum>, %convert_element_type3A_102 masked %reduce_sum3A_103 : vector<16xi32>, vector<16xi1> -> vector<16xi32>
      %reduce_sum3A_105 = vector.extract %reduce_sum3A_104[15] : i32 from vector<16xi32>
      %add3A_106 = arith.addi %scan3A_90, %reduce_sum3A_105 : i32
      scf.yield %add3A_106 : i32
    }
    %scan3A_36 = arith.constant 625 : i32
    %add3A_37 = arith.constant 63 : i32
    %add3A_38 = arith.addi %scan3A_35, %add3A_37 : i32
    %div3A = arith.constant 64 : i32
    %div3A_39 = arith.divsi %add3A_38, %div3A : i32
    %add3A_40 = arith.constant 0 : i32
    %add3A_41 = arith.addi %scan3A_35, %add3A_40 : i32
    %add3A_42 = vector.broadcast %add3A_41 : i32 to vector<16xi32>
    %add3A_43 = arith.addi %add3A_42, %iota3A : vector<16xi32>
    %broadcast_in_dim3A = arith.constant 10000 : i32
    %broadcast_in_dim3A_44 = vector.broadcast %broadcast_in_dim3A : i32 to vector<16xi32>
    tpu.vector_store_idx %arg10[%add3A_43], %broadcast_in_dim3A_44 : memref<10080xi32, #tpu.memory_space<vmem>>[vector<16xi32>], vector<16xi32>,
    %add3A_45 = arith.constant 16 : i32
    %add3A_46 = arith.addi %scan3A_35, %add3A_45 : i32
    %add3A_47 = vector.broadcast %add3A_46 : i32 to vector<16xi32>
    %add3A_48 = arith.addi %add3A_47, %iota3A : vector<16xi32>
    %broadcast_in_dim3A_49 = arith.constant 10000 : i32
    %broadcast_in_dim3A_50 = vector.broadcast %broadcast_in_dim3A_49 : i32 to vector<16xi32>
    tpu.vector_store_idx %arg10[%add3A_48], %broadcast_in_dim3A_50 : memref<10080xi32, #tpu.memory_space<vmem>>[vector<16xi32>], vector<16xi32>,
    %add3A_51 = arith.constant 32 : i32
    %add3A_52 = arith.addi %scan3A_35, %add3A_51 : i32
    %add3A_53 = vector.broadcast %add3A_52 : i32 to vector<16xi32>
    %add3A_54 = arith.addi %add3A_53, %iota3A : vector<16xi32>
    %broadcast_in_dim3A_55 = arith.constant 10000 : i32
    %broadcast_in_dim3A_56 = vector.broadcast %broadcast_in_dim3A_55 : i32 to vector<16xi32>
    tpu.vector_store_idx %arg10[%add3A_54], %broadcast_in_dim3A_56 : memref<10080xi32, #tpu.memory_space<vmem>>[vector<16xi32>], vector<16xi32>,
    %add3A_57 = arith.constant 48 : i32
    %add3A_58 = arith.addi %scan3A_35, %add3A_57 : i32
    %add3A_59 = vector.broadcast %add3A_58 : i32 to vector<16xi32>
    %add3A_60 = arith.addi %add3A_59, %iota3A : vector<16xi32>
    %broadcast_in_dim3A_61 = arith.constant 10000 : i32
    %broadcast_in_dim3A_62 = vector.broadcast %broadcast_in_dim3A_61 : i32 to vector<16xi32>
    tpu.vector_store_idx %arg10[%add3A_60], %broadcast_in_dim3A_62 : memref<10080xi32, #tpu.memory_space<vmem>>[vector<16xi32>], vector<16xi32>,
    %add3A_63 = arith.constant 64 : i32
    %add3A_64 = arith.addi %scan3A_35, %add3A_63 : i32
    %add3A_65 = vector.broadcast %add3A_64 : i32 to vector<16xi32>
    %add3A_66 = arith.addi %add3A_65, %iota3A : vector<16xi32>
    %broadcast_in_dim3A_67 = arith.constant 10000 : i32
    %broadcast_in_dim3A_68 = vector.broadcast %broadcast_in_dim3A_67 : i32 to vector<16xi32>
    tpu.vector_store_idx %arg10[%add3A_66], %broadcast_in_dim3A_68 : memref<10080xi32, #tpu.memory_space<vmem>>[vector<16xi32>], vector<16xi32>,
    %gt3A = arith.constant 0 : i32
    %gt3A_69 = arith.cmpi sgt, %div3A_39, %gt3A : i32
    %convert_element_type3A = arith.extui %gt3A_69 : i1 to i32
    %cond3A = arith.constant 0 : i32
    %cond3A_70 = arith.cmpi ne, %convert_element_type3A, %cond3A : i32
    scf.if %cond3A_70 {
      %dma_start3A_89 = arith.constant 0 : i32
      %dma_start3A_90 = tpu.memref_slice %arg9[%dma_start3A_89] : memref<10080xi32, #tpu.memory_space<vmem>> -> memref<64xi32, #tpu.memory_space<vmem>>
      %dma_start3A_91 = arith.constant 0 : i32
      %dma_start3A_92 = arith.constant 0 : i32
      %dma_start3A_93 = tpu.memref_slice %arg2[%dma_start3A_91, %dma_start3A_92] : memref<10000x128xf32, #tpu.memory_space<hbm>> -> memref<10000x128xf32, #tpu.memory_space<hbm>>
      tpu.enqueue_indirect_dma source(%dma_start3A_93 : memref<10000x128xf32, #tpu.memory_space<hbm>>) target(%arg12 : memref<64x128xf32, #tpu.memory_space<vmem>>) offsets(%dma_start3A_90 : memref<64xi32, #tpu.memory_space<vmem>>) semaphore(%arg16 : memref<!tpu.dma_semaphore, #tpu.memory_space<semaphore_mem>>)
    } else {
    }
    %add3A_71 = arith.constant 1 : i32
    %add3A_72 = arith.addi %div3A_39, %add3A_71 : i32
    %div3A_73 = arith.constant 2 : i32
    %div3A_74 = arith.divsi %add3A_72, %div3A_73 : i32
    %while3A = arith.constant 0 : i32
    %while3A_75 = arith.constant 0 : i32
    %while3A_76 = arith.subi %div3A_74, %while3A_75 : i32
    %while3A_77 = arith.addi %while3A_75, %while3A_76 : i32
    %while3A_78 = arith.constant 1 : i32
    %while3A_79 = arith.divsi %while3A_76, %while3A_78 : i32
    %while3A_80 = arith.muli %while3A_79, %while3A_78 : i32
    %while3A_81 = arith.addi %while3A_75, %while3A_80 : i32
    %while3A_82 = arith.constant 1 : i32
    scf.for %while3A_89 = %while3A_75 to %while3A_81 step %while3A_82  : i32 {
      %mul3A_90 = arith.constant 2 : i32
      %mul3A_91 = arith.muli %mul3A_90, %while3A_89 : i32
      %add3A_92 = arith.constant 1 : i32
      %add3A_93 = arith.addi %mul3A_91, %add3A_92 : i32
      %lt3A = arith.cmpi slt, %add3A_93, %div3A_39 : i32
      %convert_element_type3A_94 = arith.extui %lt3A : i1 to i32
      %cond3A_95 = arith.constant 0 : i32
      %cond3A_96 = arith.cmpi ne, %convert_element_type3A_94, %cond3A_95 : i32
      scf.if %cond3A_96 {
        %add3A_139 = arith.constant 1 : i32
        %add3A_140 = arith.addi %mul3A_91, %add3A_139 : i32
        %mul3A_141 = arith.constant 64 : i32
        %mul3A_142 = arith.muli %add3A_140, %mul3A_141 : i32
        %dma_start3A_143 = tpu.memref_slice %arg9[%mul3A_142] : memref<10080xi32, #tpu.memory_space<vmem>> -> memref<64xi32, #tpu.memory_space<vmem>>
        %dma_start3A_144 = arith.constant 0 : i32
        %dma_start3A_145 = arith.constant 0 : i32
        %dma_start3A_146 = tpu.memref_slice %arg2[%dma_start3A_144, %dma_start3A_145] : memref<10000x128xf32, #tpu.memory_space<hbm>> -> memref<10000x128xf32, #tpu.memory_space<hbm>>
        tpu.enqueue_indirect_dma source(%dma_start3A_146 : memref<10000x128xf32, #tpu.memory_space<hbm>>) target(%arg13 : memref<64x128xf32, #tpu.memory_space<vmem>>) offsets(%dma_start3A_143 : memref<64xi32, #tpu.memory_space<vmem>>) semaphore(%arg17 : memref<!tpu.dma_semaphore, #tpu.memory_space<semaphore_mem>>)
      } else {
      }
      %mul3A_97 = arith.constant 64 : i32
      %mul3A_98 = arith.muli %mul3A_91, %mul3A_97 : i32
      %add3A_99 = arith.constant 0 : i32
      %add3A_100 = arith.addi %mul3A_98, %add3A_99 : i32
      %get3A = arith.index_cast %add3A_100 : i32 to index
      %get3A_101 = tpu.vector_load %arg10[%get3A] {strides = array<i32>} : memref<10080xi32, #tpu.memory_space<vmem>>, vector<16xi32>,
      %swap3A = arith.constant 0 : index
      %swap3A_102 = tpu.vector_load %arg14[%swap3A] {strides = array<i32>} : memref<64xi32, #tpu.memory_space<vmem>>, vector<16xi32>,
      tpu.vector_store %arg14[%swap3A], %get3A_101 {strides = array<i32>} : memref<64xi32, #tpu.memory_space<vmem>>, vector<16xi32>,
      %mul3A_103 = arith.constant 64 : i32
      %mul3A_104 = arith.muli %mul3A_91, %mul3A_103 : i32
      %add3A_105 = arith.constant 16 : i32
      %add3A_106 = arith.addi %mul3A_104, %add3A_105 : i32
      %get3A_107 = arith.index_cast %add3A_106 : i32 to index
      %get3A_108 = tpu.vector_load %arg10[%get3A_107] {strides = array<i32>} : memref<10080xi32, #tpu.memory_space<vmem>>, vector<16xi32>,
      %swap3A_109 = arith.constant 16 : index
      %swap3A_110 = tpu.vector_load %arg14[%swap3A_109] {strides = array<i32>} : memref<64xi32, #tpu.memory_space<vmem>>, vector<16xi32>,
      tpu.vector_store %arg14[%swap3A_109], %get3A_108 {strides = array<i32>} : memref<64xi32, #tpu.memory_space<vmem>>, vector<16xi32>,
      %mul3A_111 = arith.constant 64 : i32
      %mul3A_112 = arith.muli %mul3A_91, %mul3A_111 : i32
      %add3A_113 = arith.constant 32 : i32
      %add3A_114 = arith.addi %mul3A_112, %add3A_113 : i32
      %get3A_115 = arith.index_cast %add3A_114 : i32 to index
      %get3A_116 = tpu.vector_load %arg10[%get3A_115] {strides = array<i32>} : memref<10080xi32, #tpu.memory_space<vmem>>, vector<16xi32>,
      %swap3A_117 = arith.constant 32 : index
      %swap3A_118 = tpu.vector_load %arg14[%swap3A_117] {strides = array<i32>} : memref<64xi32, #tpu.memory_space<vmem>>, vector<16xi32>,
      tpu.vector_store %arg14[%swap3A_117], %get3A_116 {strides = array<i32>} : memref<64xi32, #tpu.memory_space<vmem>>, vector<16xi32>,
      %mul3A_119 = arith.constant 64 : i32
      %mul3A_120 = arith.muli %mul3A_91, %mul3A_119 : i32
      %add3A_121 = arith.constant 48 : i32
      %add3A_122 = arith.addi %mul3A_120, %add3A_121 : i32
      %get3A_123 = arith.index_cast %add3A_122 : i32 to index
      %get3A_124 = tpu.vector_load %arg10[%get3A_123] {strides = array<i32>} : memref<10080xi32, #tpu.memory_space<vmem>>, vector<16xi32>,
      %swap3A_125 = arith.constant 48 : index
      %swap3A_126 = tpu.vector_load %arg14[%swap3A_125] {strides = array<i32>} : memref<64xi32, #tpu.memory_space<vmem>>, vector<16xi32>,
      tpu.vector_store %arg14[%swap3A_125], %get3A_124 {strides = array<i32>} : memref<64xi32, #tpu.memory_space<vmem>>, vector<16xi32>,
      %mul3A_127 = arith.constant 64 : i32
      %mul3A_128 = arith.muli %mul3A_91, %mul3A_127 : i32
      %dma_wait3A_129 = tpu.memref_slice %arg9[%mul3A_128] : memref<10080xi32, #tpu.memory_space<vmem>> -> memref<64xi32, #tpu.memory_space<vmem>>
      %dma_wait3A_130 = arith.constant 0 : i32
      %dma_wait3A_131 = arith.constant 0 : i32
      %dma_wait3A_132 = tpu.memref_slice %arg2[%dma_wait3A_130, %dma_wait3A_131] : memref<10000x128xf32, #tpu.memory_space<hbm>> -> memref<10000x128xf32, #tpu.memory_space<hbm>>
      tpu.wait_indirect_dma semaphore(%arg16 : memref<!tpu.dma_semaphore, #tpu.memory_space<semaphore_mem>>) src(%dma_wait3A_132 : memref<10000x128xf32, #tpu.memory_space<hbm>>) dst(%arg12 : memref<64x128xf32, #tpu.memory_space<vmem>>)
      "tpu.region"() ({
        %run_scoped3A = tpu.sem_alloc : memref<!tpu.dma_semaphore, #tpu.memory_space<semaphore_mem>>
        %dma_start3A_139 = arith.constant 0 : i32
        %dma_start3A_140 = arith.constant 0 : i32
        %dma_start3A_141 = tpu.memref_slice %arg8[%dma_start3A_139, %dma_start3A_140] : memref<10240x128xf32, #tpu.memory_space<vmem_shared>> -> memref<10240x128xf32, #tpu.memory_space<vmem_shared>>
        tpu.enqueue_indirect_dma source(%arg12 : memref<64x128xf32, #tpu.memory_space<vmem>>) target(%dma_start3A_141 : memref<10240x128xf32, #tpu.memory_space<vmem_shared>>) offsets(%arg14 : memref<64xi32, #tpu.memory_space<vmem>>) semaphore(%run_scoped3A : memref<!tpu.dma_semaphore, #tpu.memory_space<semaphore_mem>>) {add = true}
        %dma_wait3A_142 = arith.constant 0 : i32
        %dma_wait3A_143 = arith.constant 0 : i32
        %dma_wait3A_144 = tpu.memref_slice %arg8[%dma_wait3A_142, %dma_wait3A_143] : memref<10240x128xf32, #tpu.memory_space<vmem_shared>> -> memref<10240x128xf32, #tpu.memory_space<vmem_shared>>
        tpu.wait_indirect_dma semaphore(%run_scoped3A : memref<!tpu.dma_semaphore, #tpu.memory_space<semaphore_mem>>) src(%arg12 : memref<64x128xf32, #tpu.memory_space<vmem>>) dst(%dma_wait3A_144 : memref<10240x128xf32, #tpu.memory_space<vmem_shared>>)
        tpu.yield
      }) : () -> ()
      %add3A_133 = arith.constant 1 : i32
      %add3A_134 = arith.addi %mul3A_91, %add3A_133 : i32
      %lt3A_135 = arith.cmpi slt, %add3A_134, %div3A_39 : i32
      %convert_element_type3A_136 = arith.extui %lt3A_135 : i1 to i32
      %cond3A_137 = arith.constant 0 : i32
      %cond3A_138 = arith.cmpi ne, %convert_element_type3A_136, %cond3A_137 : i32
      scf.if %cond3A_138 {
        %add3A_139 = arith.constant 2 : i32
        %add3A_140 = arith.addi %mul3A_91, %add3A_139 : i32
        %lt3A_141 = arith.cmpi slt, %add3A_140, %div3A_39 : i32
        %convert_element_type3A_142 = arith.extui %lt3A_141 : i1 to i32
        %cond3A_143 = arith.constant 0 : i32
        %cond3A_144 = arith.cmpi ne, %convert_element_type3A_142, %cond3A_143 : i32
        scf.if %cond3A_144 {
          %add3A_185 = arith.constant 2 : i32
          %add3A_186 = arith.addi %mul3A_91, %add3A_185 : i32
          %mul3A_187 = arith.constant 64 : i32
          %mul3A_188 = arith.muli %add3A_186, %mul3A_187 : i32
          %dma_start3A_189 = tpu.memref_slice %arg9[%mul3A_188] : memref<10080xi32, #tpu.memory_space<vmem>> -> memref<64xi32, #tpu.memory_space<vmem>>
          %dma_start3A_190 = arith.constant 0 : i32
          %dma_start3A_191 = arith.constant 0 : i32
          %dma_start3A_192 = tpu.memref_slice %arg2[%dma_start3A_190, %dma_start3A_191] : memref<10000x128xf32, #tpu.memory_space<hbm>> -> memref<10000x128xf32, #tpu.memory_space<hbm>>
          tpu.enqueue_indirect_dma source(%dma_start3A_192 : memref<10000x128xf32, #tpu.memory_space<hbm>>) target(%arg12 : memref<64x128xf32, #tpu.memory_space<vmem>>) offsets(%dma_start3A_189 : memref<64xi32, #tpu.memory_space<vmem>>) semaphore(%arg16 : memref<!tpu.dma_semaphore, #tpu.memory_space<semaphore_mem>>)
        } else {
        }
        %add3A_145 = arith.constant 1 : i32
        %add3A_146 = arith.addi %mul3A_91, %add3A_145 : i32
        %mul3A_147 = arith.constant 64 : i32
        %mul3A_148 = arith.muli %add3A_146, %mul3A_147 : i32
        %add3A_149 = arith.constant 0 : i32
        %add3A_150 = arith.addi %mul3A_148, %add3A_149 : i32
        %get3A_151 = arith.index_cast %add3A_150 : i32 to index
        %get3A_152 = tpu.vector_load %arg10[%get3A_151] {strides = array<i32>} : memref<10080xi32, #tpu.memory_space<vmem>>, vector<16xi32>,
        %swap3A_153 = arith.constant 0 : index
        %swap3A_154 = tpu.vector_load %arg15[%swap3A_153] {strides = array<i32>} : memref<64xi32, #tpu.memory_space<vmem>>, vector<16xi32>,
        tpu.vector_store %arg15[%swap3A_153], %get3A_152 {strides = array<i32>} : memref<64xi32, #tpu.memory_space<vmem>>, vector<16xi32>,
        %mul3A_155 = arith.constant 64 : i32
        %mul3A_156 = arith.muli %add3A_146, %mul3A_155 : i32
        %add3A_157 = arith.constant 16 : i32
        %add3A_158 = arith.addi %mul3A_156, %add3A_157 : i32
        %get3A_159 = arith.index_cast %add3A_158 : i32 to index
        %get3A_160 = tpu.vector_load %arg10[%get3A_159] {strides = array<i32>} : memref<10080xi32, #tpu.memory_space<vmem>>, vector<16xi32>,
        %swap3A_161 = arith.constant 16 : index
        %swap3A_162 = tpu.vector_load %arg15[%swap3A_161] {strides = array<i32>} : memref<64xi32, #tpu.memory_space<vmem>>, vector<16xi32>,
        tpu.vector_store %arg15[%swap3A_161], %get3A_160 {strides = array<i32>} : memref<64xi32, #tpu.memory_space<vmem>>, vector<16xi32>,
        %mul3A_163 = arith.constant 64 : i32
        %mul3A_164 = arith.muli %add3A_146, %mul3A_163 : i32
        %add3A_165 = arith.constant 32 : i32
        %add3A_166 = arith.addi %mul3A_164, %add3A_165 : i32
        %get3A_167 = arith.index_cast %add3A_166 : i32 to index
        %get3A_168 = tpu.vector_load %arg10[%get3A_167] {strides = array<i32>} : memref<10080xi32, #tpu.memory_space<vmem>>, vector<16xi32>,
        %swap3A_169 = arith.constant 32 : index
        %swap3A_170 = tpu.vector_load %arg15[%swap3A_169] {strides = array<i32>} : memref<64xi32, #tpu.memory_space<vmem>>, vector<16xi32>,
        tpu.vector_store %arg15[%swap3A_169], %get3A_168 {strides = array<i32>} : memref<64xi32, #tpu.memory_space<vmem>>, vector<16xi32>,
        %mul3A_171 = arith.constant 64 : i32
        %mul3A_172 = arith.muli %add3A_146, %mul3A_171 : i32
        %add3A_173 = arith.constant 48 : i32
        %add3A_174 = arith.addi %mul3A_172, %add3A_173 : i32
        %get3A_175 = arith.index_cast %add3A_174 : i32 to index
        %get3A_176 = tpu.vector_load %arg10[%get3A_175] {strides = array<i32>} : memref<10080xi32, #tpu.memory_space<vmem>>, vector<16xi32>,
        %swap3A_177 = arith.constant 48 : index
        %swap3A_178 = tpu.vector_load %arg15[%swap3A_177] {strides = array<i32>} : memref<64xi32, #tpu.memory_space<vmem>>, vector<16xi32>,
        tpu.vector_store %arg15[%swap3A_177], %get3A_176 {strides = array<i32>} : memref<64xi32, #tpu.memory_space<vmem>>, vector<16xi32>,
        %mul3A_179 = arith.constant 64 : i32
        %mul3A_180 = arith.muli %mul3A_91, %mul3A_179 : i32
        %dma_wait3A_181 = tpu.memref_slice %arg9[%mul3A_180] : memref<10080xi32, #tpu.memory_space<vmem>> -> memref<64xi32, #tpu.memory_space<vmem>>
        %dma_wait3A_182 = arith.constant 0 : i32
        %dma_wait3A_183 = arith.constant 0 : i32
        %dma_wait3A_184 = tpu.memref_slice %arg2[%dma_wait3A_182, %dma_wait3A_183] : memref<10000x128xf32, #tpu.memory_space<hbm>> -> memref<10000x128xf32, #tpu.memory_space<hbm>>
        tpu.wait_indirect_dma semaphore(%arg17 : memref<!tpu.dma_semaphore, #tpu.memory_space<semaphore_mem>>) src(%dma_wait3A_184 : memref<10000x128xf32, #tpu.memory_space<hbm>>) dst(%arg13 : memref<64x128xf32, #tpu.memory_space<vmem>>)
        "tpu.region"() ({
          %run_scoped3A = tpu.sem_alloc : memref<!tpu.dma_semaphore, #tpu.memory_space<semaphore_mem>>
          %dma_start3A_185 = arith.constant 0 : i32
          %dma_start3A_186 = arith.constant 0 : i32
          %dma_start3A_187 = tpu.memref_slice %arg8[%dma_start3A_185, %dma_start3A_186] : memref<10240x128xf32, #tpu.memory_space<vmem_shared>> -> memref<10240x128xf32, #tpu.memory_space<vmem_shared>>
          tpu.enqueue_indirect_dma source(%arg13 : memref<64x128xf32, #tpu.memory_space<vmem>>) target(%dma_start3A_187 : memref<10240x128xf32, #tpu.memory_space<vmem_shared>>) offsets(%arg15 : memref<64xi32, #tpu.memory_space<vmem>>) semaphore(%run_scoped3A : memref<!tpu.dma_semaphore, #tpu.memory_space<semaphore_mem>>) {add = true}
          %dma_wait3A_188 = arith.constant 0 : i32
          %dma_wait3A_189 = arith.constant 0 : i32
          %dma_wait3A_190 = tpu.memref_slice %arg8[%dma_wait3A_188, %dma_wait3A_189] : memref<10240x128xf32, #tpu.memory_space<vmem_shared>> -> memref<10240x128xf32, #tpu.memory_space<vmem_shared>>
          tpu.wait_indirect_dma semaphore(%run_scoped3A : memref<!tpu.dma_semaphore, #tpu.memory_space<semaphore_mem>>) src(%arg13 : memref<64x128xf32, #tpu.memory_space<vmem>>) dst(%dma_wait3A_190 : memref<10240x128xf32, #tpu.memory_space<vmem_shared>>)
          tpu.yield
        }) : () -> ()
      } else {
      }
    }
    %while3A_83 = arith.constant 1 : i32
    scf.for %while3A_89 = %while3A_81 to %while3A_77 step %while3A_83  : i32 {
      %mul3A_90 = arith.constant 2 : i32
      %mul3A_91 = arith.muli %mul3A_90, %while3A_89 : i32
      %add3A_92 = arith.constant 1 : i32
      %add3A_93 = arith.addi %mul3A_91, %add3A_92 : i32
      %lt3A = arith.cmpi slt, %add3A_93, %div3A_39 : i32
      %convert_element_type3A_94 = arith.extui %lt3A : i1 to i32
      %cond3A_95 = arith.constant 0 : i32
      %cond3A_96 = arith.cmpi ne, %convert_element_type3A_94, %cond3A_95 : i32
      scf.if %cond3A_96 {
        %add3A_139 = arith.constant 1 : i32
        %add3A_140 = arith.addi %mul3A_91, %add3A_139 : i32
        %mul3A_141 = arith.constant 64 : i32
        %mul3A_142 = arith.muli %add3A_140, %mul3A_141 : i32
        %dma_start3A_143 = tpu.memref_slice %arg9[%mul3A_142] : memref<10080xi32, #tpu.memory_space<vmem>> -> memref<64xi32, #tpu.memory_space<vmem>>
        %dma_start3A_144 = arith.constant 0 : i32
        %dma_start3A_145 = arith.constant 0 : i32
        %dma_start3A_146 = tpu.memref_slice %arg2[%dma_start3A_144, %dma_start3A_145] : memref<10000x128xf32, #tpu.memory_space<hbm>> -> memref<10000x128xf32, #tpu.memory_space<hbm>>
        tpu.enqueue_indirect_dma source(%dma_start3A_146 : memref<10000x128xf32, #tpu.memory_space<hbm>>) target(%arg13 : memref<64x128xf32, #tpu.memory_space<vmem>>) offsets(%dma_start3A_143 : memref<64xi32, #tpu.memory_space<vmem>>) semaphore(%arg17 : memref<!tpu.dma_semaphore, #tpu.memory_space<semaphore_mem>>)
      } else {
      }
      %mul3A_97 = arith.constant 64 : i32
      %mul3A_98 = arith.muli %mul3A_91, %mul3A_97 : i32
      %add3A_99 = arith.constant 0 : i32
      %add3A_100 = arith.addi %mul3A_98, %add3A_99 : i32
      %get3A = arith.index_cast %add3A_100 : i32 to index
      %get3A_101 = tpu.vector_load %arg10[%get3A] {strides = array<i32>} : memref<10080xi32, #tpu.memory_space<vmem>>, vector<16xi32>,
      %swap3A = arith.constant 0 : index
      %swap3A_102 = tpu.vector_load %arg14[%swap3A] {strides = array<i32>} : memref<64xi32, #tpu.memory_space<vmem>>, vector<16xi32>,
      tpu.vector_store %arg14[%swap3A], %get3A_101 {strides = array<i32>} : memref<64xi32, #tpu.memory_space<vmem>>, vector<16xi32>,
      %mul3A_103 = arith.constant 64 : i32
      %mul3A_104 = arith.muli %mul3A_91, %mul3A_103 : i32
      %add3A_105 = arith.constant 16 : i32
      %add3A_106 = arith.addi %mul3A_104, %add3A_105 : i32
      %get3A_107 = arith.index_cast %add3A_106 : i32 to index
      %get3A_108 = tpu.vector_load %arg10[%get3A_107] {strides = array<i32>} : memref<10080xi32, #tpu.memory_space<vmem>>, vector<16xi32>,
      %swap3A_109 = arith.constant 16 : index
      %swap3A_110 = tpu.vector_load %arg14[%swap3A_109] {strides = array<i32>} : memref<64xi32, #tpu.memory_space<vmem>>, vector<16xi32>,
      tpu.vector_store %arg14[%swap3A_109], %get3A_108 {strides = array<i32>} : memref<64xi32, #tpu.memory_space<vmem>>, vector<16xi32>,
      %mul3A_111 = arith.constant 64 : i32
      %mul3A_112 = arith.muli %mul3A_91, %mul3A_111 : i32
      %add3A_113 = arith.constant 32 : i32
      %add3A_114 = arith.addi %mul3A_112, %add3A_113 : i32
      %get3A_115 = arith.index_cast %add3A_114 : i32 to index
      %get3A_116 = tpu.vector_load %arg10[%get3A_115] {strides = array<i32>} : memref<10080xi32, #tpu.memory_space<vmem>>, vector<16xi32>,
      %swap3A_117 = arith.constant 32 : index
      %swap3A_118 = tpu.vector_load %arg14[%swap3A_117] {strides = array<i32>} : memref<64xi32, #tpu.memory_space<vmem>>, vector<16xi32>,
      tpu.vector_store %arg14[%swap3A_117], %get3A_116 {strides = array<i32>} : memref<64xi32, #tpu.memory_space<vmem>>, vector<16xi32>,
      %mul3A_119 = arith.constant 64 : i32
      %mul3A_120 = arith.muli %mul3A_91, %mul3A_119 : i32
      %add3A_121 = arith.constant 48 : i32
      %add3A_122 = arith.addi %mul3A_120, %add3A_121 : i32
      %get3A_123 = arith.index_cast %add3A_122 : i32 to index
      %get3A_124 = tpu.vector_load %arg10[%get3A_123] {strides = array<i32>} : memref<10080xi32, #tpu.memory_space<vmem>>, vector<16xi32>,
      %swap3A_125 = arith.constant 48 : index
      %swap3A_126 = tpu.vector_load %arg14[%swap3A_125] {strides = array<i32>} : memref<64xi32, #tpu.memory_space<vmem>>, vector<16xi32>,
      tpu.vector_store %arg14[%swap3A_125], %get3A_124 {strides = array<i32>} : memref<64xi32, #tpu.memory_space<vmem>>, vector<16xi32>,
      %mul3A_127 = arith.constant 64 : i32
      %mul3A_128 = arith.muli %mul3A_91, %mul3A_127 : i32
      %dma_wait3A_129 = tpu.memref_slice %arg9[%mul3A_128] : memref<10080xi32, #tpu.memory_space<vmem>> -> memref<64xi32, #tpu.memory_space<vmem>>
      %dma_wait3A_130 = arith.constant 0 : i32
      %dma_wait3A_131 = arith.constant 0 : i32
      %dma_wait3A_132 = tpu.memref_slice %arg2[%dma_wait3A_130, %dma_wait3A_131] : memref<10000x128xf32, #tpu.memory_space<hbm>> -> memref<10000x128xf32, #tpu.memory_space<hbm>>
      tpu.wait_indirect_dma semaphore(%arg16 : memref<!tpu.dma_semaphore, #tpu.memory_space<semaphore_mem>>) src(%dma_wait3A_132 : memref<10000x128xf32, #tpu.memory_space<hbm>>) dst(%arg12 : memref<64x128xf32, #tpu.memory_space<vmem>>)
      "tpu.region"() ({
        %run_scoped3A = tpu.sem_alloc : memref<!tpu.dma_semaphore, #tpu.memory_space<semaphore_mem>>
        %dma_start3A_139 = arith.constant 0 : i32
        %dma_start3A_140 = arith.constant 0 : i32
        %dma_start3A_141 = tpu.memref_slice %arg8[%dma_start3A_139, %dma_start3A_140] : memref<10240x128xf32, #tpu.memory_space<vmem_shared>> -> memref<10240x128xf32, #tpu.memory_space<vmem_shared>>
        tpu.enqueue_indirect_dma source(%arg12 : memref<64x128xf32, #tpu.memory_space<vmem>>) target(%dma_start3A_141 : memref<10240x128xf32, #tpu.memory_space<vmem_shared>>) offsets(%arg14 : memref<64xi32, #tpu.memory_space<vmem>>) semaphore(%run_scoped3A : memref<!tpu.dma_semaphore, #tpu.memory_space<semaphore_mem>>) {add = true}
        %dma_wait3A_142 = arith.constant 0 : i32
        %dma_wait3A_143 = arith.constant 0 : i32
        %dma_wait3A_144 = tpu.memref_slice %arg8[%dma_wait3A_142, %dma_wait3A_143] : memref<10240x128xf32, #tpu.memory_space<vmem_shared>> -> memref<10240x128xf32, #tpu.memory_space<vmem_shared>>
        tpu.wait_indirect_dma semaphore(%run_scoped3A : memref<!tpu.dma_semaphore, #tpu.memory_space<semaphore_mem>>) src(%arg12 : memref<64x128xf32, #tpu.memory_space<vmem>>) dst(%dma_wait3A_144 : memref<10240x128xf32, #tpu.memory_space<vmem_shared>>)
        tpu.yield
      }) : () -> ()
      %add3A_133 = arith.constant 1 : i32
      %add3A_134 = arith.addi %mul3A_91, %add3A_133 : i32
      %lt3A_135 = arith.cmpi slt, %add3A_134, %div3A_39 : i32
      %convert_element_type3A_136 = arith.extui %lt3A_135 : i1 to i32
      %cond3A_137 = arith.constant 0 : i32
      %cond3A_138 = arith.cmpi ne, %convert_element_type3A_136, %cond3A_137 : i32
      scf.if %cond3A_138 {
        %add3A_139 = arith.constant 2 : i32
        %add3A_140 = arith.addi %mul3A_91, %add3A_139 : i32
        %lt3A_141 = arith.cmpi slt, %add3A_140, %div3A_39 : i32
        %convert_element_type3A_142 = arith.extui %lt3A_141 : i1 to i32
        %cond3A_143 = arith.constant 0 : i32
        %cond3A_144 = arith.cmpi ne, %convert_element_type3A_142, %cond3A_143 : i32
        scf.if %cond3A_144 {
          %add3A_185 = arith.constant 2 : i32
          %add3A_186 = arith.addi %mul3A_91, %add3A_185 : i32
          %mul3A_187 = arith.constant 64 : i32
          %mul3A_188 = arith.muli %add3A_186, %mul3A_187 : i32
          %dma_start3A_189 = tpu.memref_slice %arg9[%mul3A_188] : memref<10080xi32, #tpu.memory_space<vmem>> -> memref<64xi32, #tpu.memory_space<vmem>>
          %dma_start3A_190 = arith.constant 0 : i32
          %dma_start3A_191 = arith.constant 0 : i32
          %dma_start3A_192 = tpu.memref_slice %arg2[%dma_start3A_190, %dma_start3A_191] : memref<10000x128xf32, #tpu.memory_space<hbm>> -> memref<10000x128xf32, #tpu.memory_space<hbm>>
          tpu.enqueue_indirect_dma source(%dma_start3A_192 : memref<10000x128xf32, #tpu.memory_space<hbm>>) target(%arg12 : memref<64x128xf32, #tpu.memory_space<vmem>>) offsets(%dma_start3A_189 : memref<64xi32, #tpu.memory_space<vmem>>) semaphore(%arg16 : memref<!tpu.dma_semaphore, #tpu.memory_space<semaphore_mem>>)
        } else {
        }
        %add3A_145 = arith.constant 1 : i32
        %add3A_146 = arith.addi %mul3A_91, %add3A_145 : i32
        %mul3A_147 = arith.constant 64 : i32
        %mul3A_148 = arith.muli %add3A_146, %mul3A_147 : i32
        %add3A_149 = arith.constant 0 : i32
        %add3A_150 = arith.addi %mul3A_148, %add3A_149 : i32
        %get3A_151 = arith.index_cast %add3A_150 : i32 to index
        %get3A_152 = tpu.vector_load %arg10[%get3A_151] {strides = array<i32>} : memref<10080xi32, #tpu.memory_space<vmem>>, vector<16xi32>,
        %swap3A_153 = arith.constant 0 : index
        %swap3A_154 = tpu.vector_load %arg15[%swap3A_153] {strides = array<i32>} : memref<64xi32, #tpu.memory_space<vmem>>, vector<16xi32>,
        tpu.vector_store %arg15[%swap3A_153], %get3A_152 {strides = array<i32>} : memref<64xi32, #tpu.memory_space<vmem>>, vector<16xi32>,
        %mul3A_155 = arith.constant 64 : i32
        %mul3A_156 = arith.muli %add3A_146, %mul3A_155 : i32
        %add3A_157 = arith.constant 16 : i32
        %add3A_158 = arith.addi %mul3A_156, %add3A_157 : i32
        %get3A_159 = arith.index_cast %add3A_158 : i32 to index
        %get3A_160 = tpu.vector_load %arg10[%get3A_159] {strides = array<i32>} : memref<10080xi32, #tpu.memory_space<vmem>>, vector<16xi32>,
        %swap3A_161 = arith.constant 16 : index
        %swap3A_162 = tpu.vector_load %arg15[%swap3A_161] {strides = array<i32>} : memref<64xi32, #tpu.memory_space<vmem>>, vector<16xi32>,
        tpu.vector_store %arg15[%swap3A_161], %get3A_160 {strides = array<i32>} : memref<64xi32, #tpu.memory_space<vmem>>, vector<16xi32>,
        %mul3A_163 = arith.constant 64 : i32
        %mul3A_164 = arith.muli %add3A_146, %mul3A_163 : i32
        %add3A_165 = arith.constant 32 : i32
        %add3A_166 = arith.addi %mul3A_164, %add3A_165 : i32
        %get3A_167 = arith.index_cast %add3A_166 : i32 to index
        %get3A_168 = tpu.vector_load %arg10[%get3A_167] {strides = array<i32>} : memref<10080xi32, #tpu.memory_space<vmem>>, vector<16xi32>,
        %swap3A_169 = arith.constant 32 : index
        %swap3A_170 = tpu.vector_load %arg15[%swap3A_169] {strides = array<i32>} : memref<64xi32, #tpu.memory_space<vmem>>, vector<16xi32>,
        tpu.vector_store %arg15[%swap3A_169], %get3A_168 {strides = array<i32>} : memref<64xi32, #tpu.memory_space<vmem>>, vector<16xi32>,
        %mul3A_171 = arith.constant 64 : i32
        %mul3A_172 = arith.muli %add3A_146, %mul3A_171 : i32
        %add3A_173 = arith.constant 48 : i32
        %add3A_174 = arith.addi %mul3A_172, %add3A_173 : i32
        %get3A_175 = arith.index_cast %add3A_174 : i32 to index
        %get3A_176 = tpu.vector_load %arg10[%get3A_175] {strides = array<i32>} : memref<10080xi32, #tpu.memory_space<vmem>>, vector<16xi32>,
        %swap3A_177 = arith.constant 48 : index
        %swap3A_178 = tpu.vector_load %arg15[%swap3A_177] {strides = array<i32>} : memref<64xi32, #tpu.memory_space<vmem>>, vector<16xi32>,
        tpu.vector_store %arg15[%swap3A_177], %get3A_176 {strides = array<i32>} : memref<64xi32, #tpu.memory_space<vmem>>, vector<16xi32>,
        %mul3A_179 = arith.constant 64 : i32
        %mul3A_180 = arith.muli %mul3A_91, %mul3A_179 : i32
        %dma_wait3A_181 = tpu.memref_slice %arg9[%mul3A_180] : memref<10080xi32, #tpu.memory_space<vmem>> -> memref<64xi32, #tpu.memory_space<vmem>>
        %dma_wait3A_182 = arith.constant 0 : i32
        %dma_wait3A_183 = arith.constant 0 : i32
        %dma_wait3A_184 = tpu.memref_slice %arg2[%dma_wait3A_182, %dma_wait3A_183] : memref<10000x128xf32, #tpu.memory_space<hbm>> -> memref<10000x128xf32, #tpu.memory_space<hbm>>
        tpu.wait_indirect_dma semaphore(%arg17 : memref<!tpu.dma_semaphore, #tpu.memory_space<semaphore_mem>>) src(%dma_wait3A_184 : memref<10000x128xf32, #tpu.memory_space<hbm>>) dst(%arg13 : memref<64x128xf32, #tpu.memory_space<vmem>>)
        "tpu.region"() ({
          %run_scoped3A = tpu.sem_alloc : memref<!tpu.dma_semaphore, #tpu.memory_space<semaphore_mem>>
          %dma_start3A_185 = arith.constant 0 : i32
          %dma_start3A_186 = arith.constant 0 : i32
          %dma_start3A_187 = tpu.memref_slice %arg8[%dma_start3A_185, %dma_start3A_186] : memref<10240x128xf32, #tpu.memory_space<vmem_shared>> -> memref<10240x128xf32, #tpu.memory_space<vmem_shared>>
          tpu.enqueue_indirect_dma source(%arg13 : memref<64x128xf32, #tpu.memory_space<vmem>>) target(%dma_start3A_187 : memref<10240x128xf32, #tpu.memory_space<vmem_shared>>) offsets(%arg15 : memref<64xi32, #tpu.memory_space<vmem>>) semaphore(%run_scoped3A : memref<!tpu.dma_semaphore, #tpu.memory_space<semaphore_mem>>) {add = true}
          %dma_wait3A_188 = arith.constant 0 : i32
          %dma_wait3A_189 = arith.constant 0 : i32
          %dma_wait3A_190 = tpu.memref_slice %arg8[%dma_wait3A_188, %dma_wait3A_189] : memref<10240x128xf32, #tpu.memory_space<vmem_shared>> -> memref<10240x128xf32, #tpu.memory_space<vmem_shared>>
          tpu.wait_indirect_dma semaphore(%run_scoped3A : memref<!tpu.dma_semaphore, #tpu.memory_space<semaphore_mem>>) src(%arg13 : memref<64x128xf32, #tpu.memory_space<vmem>>) dst(%dma_wait3A_190 : memref<10240x128xf32, #tpu.memory_space<vmem_shared>>)
          tpu.yield
        }) : () -> ()
      } else {
      }
    }
    %barrier3A_84 = arith.constant 0 : index
    tpu.barrier barrier_id(%barrier3A_84)
    %mul3A_85 = arith.constant 640 : i32
    %mul3A_86 = arith.muli %arg1, %mul3A_85 : i32
    %mul3A_87 = arith.constant 640 : i32
    %mul3A_88 = arith.muli %arg1, %mul3A_87 : i32
    "tpu.region"() ({
      %run_scoped3A = tpu.sem_alloc : memref<!tpu.dma_semaphore, #tpu.memory_space<semaphore_mem>>
      %dma_start3A_89 = arith.constant 0 : i32
      %dma_start3A_90 = tpu.memref_slice %arg7[%arg0, %mul3A_88, %dma_start3A_89] : memref<2x10240x128xf32, #tpu.memory_space<hbm>> -> memref<1x640x128xf32, #tpu.memory_space<hbm>>
      %dma_start3A_91 = tpu.memref_squeeze %dma_start3A_90 : memref<1x640x128xf32, #tpu.memory_space<hbm>> -> memref<640x128xf32, #tpu.memory_space<hbm>>
      %dma_start3A_92 = arith.constant 0 : i32
      %dma_start3A_93 = tpu.memref_slice %arg8[%mul3A_86, %dma_start3A_92] : memref<10240x128xf32, #tpu.memory_space<vmem_shared>> -> memref<640x128xf32, #tpu.memory_space<vmem_shared>>
      tpu.enqueue_dma source(%dma_start3A_93 : memref<640x128xf32, #tpu.memory_space<vmem_shared>>) target(%dma_start3A_91 : memref<640x128xf32, #tpu.memory_space<hbm>>) target_semaphore(%run_scoped3A : memref<!tpu.dma_semaphore, #tpu.memory_space<semaphore_mem>>)
      %dma_wait3A_94 = arith.constant 0 : i32
      %dma_wait3A_95 = tpu.memref_slice %arg7[%arg0, %mul3A_88, %dma_wait3A_94] : memref<2x10240x128xf32, #tpu.memory_space<hbm>> -> memref<1x640x128xf32, #tpu.memory_space<hbm>>
      %dma_wait3A_96 = tpu.memref_squeeze %dma_wait3A_95 : memref<1x640x128xf32, #tpu.memory_space<hbm>> -> memref<640x128xf32, #tpu.memory_space<hbm>>
      %dma_wait3A_97 = arith.constant 0 : i32
      %dma_wait3A_98 = tpu.memref_slice %arg8[%mul3A_86, %dma_wait3A_97] : memref<10240x128xf32, #tpu.memory_space<vmem_shared>> -> memref<640x128xf32, #tpu.memory_space<vmem_shared>>
      tpu.wait_dma2 semaphore(%run_scoped3A : memref<!tpu.dma_semaphore, #tpu.memory_space<semaphore_mem>>) src(%dma_wait3A_98 : memref<640x128xf32, #tpu.memory_space<vmem_shared>>) dst(%dma_wait3A_96 : memref<640x128xf32, #tpu.memory_space<hbm>>)
      tpu.yield
    }) : () -> ()
    return
  }
}

#map = affine_map<(d0, d1) -> (0)>
module attributes {stable_mosaic.version = 14 : i64} {
  func.func @k(%arg0: i32, %arg1: i32, %arg2: memref<320000xi32, #tpu.memory_space<hbm>>, %arg3: memref<10240xi32, #tpu.memory_space<hbm>>, %arg4: memref<10240xf32, #tpu.memory_space<hbm>>, %arg5: memref<16x10240xi32, #tpu.memory_space<vmem_shared>>, %arg6: memref<20032xi32, #tpu.memory_space<vmem>>, %arg7: memref<10240xi32, #tpu.memory_space<vmem>>, %arg8: memref<10240xi32, #tpu.memory_space<vmem>>, %arg9: memref<16x640xi32, #tpu.memory_space<vmem>>, %arg10: memref<640xi32, #tpu.memory_space<vmem>>, %arg11: memref<640xf32, #tpu.memory_space<vmem>>) attributes {dimension_semantics = [#tpu.dimension_semantics<core_parallel>, #tpu.dimension_semantics<subcore_parallel>], iteration_bounds = array<i64: 2, 16>, scalar_prefetch = 0 : i64, scratch_operands = 7 : i64, tpu.core_type = #tpu.core_type<sc_vector_subcore>, window_params = [{transform_indices = #map}, {transform_indices = #map}, {transform_indices = #map}]} {
    %iota3A = tpu.iota {dimensions = array<i32: 0>} : vector<16xi32>
    %broadcast_in_dim3A = arith.constant -1 : i32
    %broadcast_in_dim3A_0 = vector.broadcast %broadcast_in_dim3A : i32 to vector<16xi32>
    %mul3A = arith.constant 20000 : i32
    %mul3A_1 = arith.muli %arg1, %mul3A : i32
    "tpu.region"() ({
      %run_scoped3A = tpu.sem_alloc : memref<!tpu.dma_semaphore, #tpu.memory_space<semaphore_mem>>
      %dma_start3A = arith.constant 16 : i32
      %dma_start3A_47 = tpu.memref_slice %arg6[%dma_start3A] : memref<20032xi32, #tpu.memory_space<vmem>> -> memref<20000xi32, #tpu.memory_space<vmem>>
      %dma_start3A_48 = tpu.memref_slice %arg2[%mul3A_1] : memref<320000xi32, #tpu.memory_space<hbm>> -> memref<20000xi32, #tpu.memory_space<hbm>>
      %dma_start3A_49 = arith.constant 16 : i32
      %dma_start3A_50 = tpu.memref_slice %arg6[%dma_start3A_49] : memref<20032xi32, #tpu.memory_space<vmem>> -> memref<20000xi32, #tpu.memory_space<vmem>>
      %dma_start3A_51 = tpu.memref_slice %arg2[%mul3A_1] : memref<320000xi32, #tpu.memory_space<hbm>> -> memref<20000xi32, #tpu.memory_space<hbm>>
      tpu.enqueue_dma source(%dma_start3A_51 : memref<20000xi32, #tpu.memory_space<hbm>>) target(%dma_start3A_50 : memref<20000xi32, #tpu.memory_space<vmem>>) target_semaphore(%run_scoped3A : memref<!tpu.dma_semaphore, #tpu.memory_space<semaphore_mem>>)
      %dma_wait3A = arith.constant 16 : i32
      %dma_wait3A_52 = tpu.memref_slice %arg6[%dma_wait3A] : memref<20032xi32, #tpu.memory_space<vmem>> -> memref<20000xi32, #tpu.memory_space<vmem>>
      %dma_wait3A_53 = tpu.memref_slice %arg2[%mul3A_1] : memref<320000xi32, #tpu.memory_space<hbm>> -> memref<20000xi32, #tpu.memory_space<hbm>>
      %dma_wait3A_54 = arith.constant 16 : i32
      %dma_wait3A_55 = tpu.memref_slice %arg6[%dma_wait3A_54] : memref<20032xi32, #tpu.memory_space<vmem>> -> memref<20000xi32, #tpu.memory_space<vmem>>
      %dma_wait3A_56 = tpu.memref_slice %arg2[%mul3A_1] : memref<320000xi32, #tpu.memory_space<hbm>> -> memref<20000xi32, #tpu.memory_space<hbm>>
      tpu.wait_dma2 semaphore(%run_scoped3A : memref<!tpu.dma_semaphore, #tpu.memory_space<semaphore_mem>>) src(%dma_wait3A_56 : memref<20000xi32, #tpu.memory_space<hbm>>) dst(%dma_wait3A_55 : memref<20000xi32, #tpu.memory_space<vmem>>)
      tpu.yield
    }) : () -> ()
    %eq3A = arith.constant 0 : i32
    %eq3A_2 = arith.cmpi eq, %arg1, %eq3A : i32
    %convert_element_type3A = arith.extui %eq3A_2 : i1 to i32
    %cond3A = arith.constant 0 : i32
    %cond3A_3 = arith.cmpi ne, %convert_element_type3A, %cond3A : i32
    scf.if %cond3A_3 {
      %swap3A = arith.constant 0 : index
      %swap3A_47 = tpu.vector_load %arg6[%swap3A] {strides = array<i32>} : memref<20032xi32, #tpu.memory_space<vmem>>, vector<16xi32>,
      tpu.vector_store %arg6[%swap3A], %broadcast_in_dim3A_0 {strides = array<i32>} : memref<20032xi32, #tpu.memory_space<vmem>>, vector<16xi32>,
    } else {
    }
    %gt3A = arith.constant 0 : i32
    %gt3A_4 = arith.cmpi sgt, %arg1, %gt3A : i32
    %convert_element_type3A_5 = arith.extui %gt3A_4 : i1 to i32
    %cond3A_6 = arith.constant 0 : i32
    %cond3A_7 = arith.cmpi ne, %convert_element_type3A_5, %cond3A_6 : i32
    scf.if %cond3A_7 {
      %sub3A = arith.constant 16 : i32
      %sub3A_47 = arith.subi %mul3A_1, %sub3A : i32
      "tpu.region"() ({
        %run_scoped3A = tpu.sem_alloc : memref<!tpu.dma_semaphore, #tpu.memory_space<semaphore_mem>>
        %dma_start3A = arith.constant 0 : i32
        %dma_start3A_48 = tpu.memref_slice %arg6[%dma_start3A] : memref<20032xi32, #tpu.memory_space<vmem>> -> memref<16xi32, #tpu.memory_space<vmem>>
        %dma_start3A_49 = tpu.memref_slice %arg2[%sub3A_47] : memref<320000xi32, #tpu.memory_space<hbm>> -> memref<16xi32, #tpu.memory_space<hbm>>
        %dma_start3A_50 = arith.constant 0 : i32
        %dma_start3A_51 = tpu.memref_slice %arg6[%dma_start3A_50] : memref<20032xi32, #tpu.memory_space<vmem>> -> memref<16xi32, #tpu.memory_space<vmem>>
        %dma_start3A_52 = tpu.memref_slice %arg2[%sub3A_47] : memref<320000xi32, #tpu.memory_space<hbm>> -> memref<16xi32, #tpu.memory_space<hbm>>
        tpu.enqueue_dma source(%dma_start3A_52 : memref<16xi32, #tpu.memory_space<hbm>>) target(%dma_start3A_51 : memref<16xi32, #tpu.memory_space<vmem>>) target_semaphore(%run_scoped3A : memref<!tpu.dma_semaphore, #tpu.memory_space<semaphore_mem>>)
        %dma_wait3A = arith.constant 0 : i32
        %dma_wait3A_53 = tpu.memref_slice %arg6[%dma_wait3A] : memref<20032xi32, #tpu.memory_space<vmem>> -> memref<16xi32, #tpu.memory_space<vmem>>
        %dma_wait3A_54 = tpu.memref_slice %arg2[%sub3A_47] : memref<320000xi32, #tpu.memory_space<hbm>> -> memref<16xi32, #tpu.memory_space<hbm>>
        %dma_wait3A_55 = arith.constant 0 : i32
        %dma_wait3A_56 = tpu.memref_slice %arg6[%dma_wait3A_55] : memref<20032xi32, #tpu.memory_space<vmem>> -> memref<16xi32, #tpu.memory_space<vmem>>
        %dma_wait3A_57 = tpu.memref_slice %arg2[%sub3A_47] : memref<320000xi32, #tpu.memory_space<hbm>> -> memref<16xi32, #tpu.memory_space<hbm>>
        tpu.wait_dma2 semaphore(%run_scoped3A : memref<!tpu.dma_semaphore, #tpu.memory_space<semaphore_mem>>) src(%dma_wait3A_57 : memref<16xi32, #tpu.memory_space<hbm>>) dst(%dma_wait3A_56 : memref<16xi32, #tpu.memory_space<vmem>>)
        tpu.yield
      }) : () -> ()
    } else {
    }
    %scan3A = arith.constant 0 : i32
    %scan3A_8 = arith.constant 0 : i32
    %scan3A_9 = arith.constant 640 : i32
    %scan3A_10 = arith.addi %scan3A_8, %scan3A_9 : i32
    %scan3A_11 = arith.constant 1 : i32
    scf.for %scan3A_47 = %scan3A_8 to %scan3A_10 step %scan3A_11  : i32 {
      %mul3A_48 = arith.constant 16 : i32
      %mul3A_49 = arith.muli %scan3A_47, %mul3A_48 : i32
      %swap3A = arith.index_cast %mul3A_49 : i32 to index
      %swap3A_50 = tpu.vector_load %arg7[%swap3A] {strides = array<i32>} : memref<10240xi32, #tpu.memory_space<vmem>>, vector<16xi32>,
      tpu.vector_store %arg7[%swap3A], %broadcast_in_dim3A_0 {strides = array<i32>} : memref<10240xi32, #tpu.memory_space<vmem>>, vector<16xi32>,
      %mul3A_51 = arith.constant 16 : i32
      %mul3A_52 = arith.muli %scan3A_47, %mul3A_51 : i32
      %swap3A_53 = arith.index_cast %mul3A_52 : i32 to index
      %swap3A_54 = tpu.vector_load %arg8[%swap3A_53] {strides = array<i32>} : memref<10240xi32, #tpu.memory_space<vmem>>, vector<16xi32>,
      tpu.vector_store %arg8[%swap3A_53], %broadcast_in_dim3A_0 {strides = array<i32>} : memref<10240xi32, #tpu.memory_space<vmem>>, vector<16xi32>,
    }
    %scan3A_12 = arith.constant 640 : i32
    %scan3A_13 = arith.constant 0 : i32
    %scan3A_14 = arith.constant 0 : i32
    %scan3A_15 = arith.constant 1250 : i32
    %scan3A_16 = arith.addi %scan3A_14, %scan3A_15 : i32
    %scan3A_17 = arith.constant 1 : i32
    scf.for %scan3A_47 = %scan3A_14 to %scan3A_16 step %scan3A_17  : i32 {
      %mul3A_48 = arith.constant 16 : i32
      %mul3A_49 = arith.muli %scan3A_47, %mul3A_48 : i32
      %add3A = arith.constant 16 : i32
      %add3A_50 = arith.addi %mul3A_49, %add3A : i32
      %get3A = arith.index_cast %add3A_50 : i32 to index
      %get3A_51 = tpu.vector_load %arg6[%get3A] {strides = array<i32>} : memref<20032xi32, #tpu.memory_space<vmem>>, vector<16xi32>,
      %add3A_52 = arith.constant 15 : i32
      %add3A_53 = arith.addi %mul3A_49, %add3A_52 : i32
      %add3A_54 = vector.broadcast %add3A_53 : i32 to vector<16xi32>
      %add3A_55 = arith.addi %add3A_54, %iota3A : vector<16xi32>
      %gather3A = tpu.vector_load_idx %arg6[%add3A_55] : memref<20032xi32, #tpu.memory_space<vmem>>[vector<16xi32>], vector<16xi32>,
      %ne3A = arith.cmpi ne, %get3A_51, %gather3A : vector<16xi32>
      %add3A_56 = arith.addi %mul3A_1, %mul3A_49 : i32
      %add3A_57 = vector.broadcast %add3A_56 : i32 to vector<16xi32>
      %add3A_58 = arith.addi %add3A_57, %iota3A : vector<16xi32>
      tpu.vector_store_idx %arg7[%get3A_51], %add3A_58 masked %ne3A : memref<10240xi32, #tpu.memory_space<vmem>>[vector<16xi32>], vector<16xi32>, vector<16xi1>
      %ge3A = arith.constant 0 : i32
      %ge3A_59 = vector.broadcast %ge3A : i32 to vector<16xi32>
      %ge3A_60 = arith.cmpi sge, %gather3A, %ge3A_59 : vector<16xi32>
      %and3A = arith.andi %ne3A, %ge3A_60 : vector<16xi1>
      tpu.vector_store_idx %arg8[%gather3A], %add3A_58 masked %and3A : memref<10240xi32, #tpu.memory_space<vmem>>[vector<16xi32>], vector<16xi32>, vector<16xi1>
    }
    %scan3A_18 = arith.constant 1250 : i32
    %eq3A_19 = arith.constant 15 : i32
    %eq3A_20 = arith.cmpi eq, %arg1, %eq3A_19 : i32
    %convert_element_type3A_21 = arith.extui %eq3A_20 : i1 to i32
    %cond3A_22 = arith.constant 0 : i32
    %cond3A_23 = arith.cmpi ne, %convert_element_type3A_21, %cond3A_22 : i32
    scf.if %cond3A_23 {
      %get3A = arith.constant 20000 : index
      %get3A_47 = tpu.vector_load %arg6[%get3A] {strides = array<i32>} : memref<20032xi32, #tpu.memory_space<vmem>>, vector<16xi32>,
      %broadcast_in_dim3A_48 = arith.constant 320000 : i32
      %broadcast_in_dim3A_49 = vector.broadcast %broadcast_in_dim3A_48 : i32 to vector<16xi32>
      %eq3A_50 = arith.constant 15 : i32
      %eq3A_51 = vector.broadcast %eq3A_50 : i32 to vector<16xi32>
      %eq3A_52 = arith.cmpi eq, %iota3A, %eq3A_51 : vector<16xi32>
      tpu.vector_store_idx %arg8[%get3A_47], %broadcast_in_dim3A_49 masked %eq3A_52 : memref<10240xi32, #tpu.memory_space<vmem>>[vector<16xi32>], vector<16xi32>, vector<16xi1>
    } else {
    }
    "tpu.region"() ({
      %run_scoped3A = tpu.sem_alloc : memref<!tpu.dma_semaphore, #tpu.memory_space<semaphore_mem>>
      %dma_start3A = arith.constant 0 : i32
      %dma_start3A_47 = tpu.memref_slice %arg5[%arg1, %dma_start3A] : memref<16x10240xi32, #tpu.memory_space<vmem_shared>> -> memref<1x10240xi32, #tpu.memory_space<vmem_shared>>
      %dma_start3A_48 = tpu.memref_squeeze %dma_start3A_47 : memref<1x10240xi32, #tpu.memory_space<vmem_shared>> -> memref<10240xi32, #tpu.memory_space<vmem_shared>>
      %dma_start3A_49 = arith.constant 0 : i32
      %dma_start3A_50 = tpu.memref_slice %arg5[%arg1, %dma_start3A_49] : memref<16x10240xi32, #tpu.memory_space<vmem_shared>> -> memref<1x10240xi32, #tpu.memory_space<vmem_shared>>
      %dma_start3A_51 = tpu.memref_squeeze %dma_start3A_50 : memref<1x10240xi32, #tpu.memory_space<vmem_shared>> -> memref<10240xi32, #tpu.memory_space<vmem_shared>>
      tpu.enqueue_dma source(%arg7 : memref<10240xi32, #tpu.memory_space<vmem>>) target(%dma_start3A_51 : memref<10240xi32, #tpu.memory_space<vmem_shared>>) target_semaphore(%run_scoped3A : memref<!tpu.dma_semaphore, #tpu.memory_space<semaphore_mem>>)
      %dma_wait3A = arith.constant 0 : i32
      %dma_wait3A_52 = tpu.memref_slice %arg5[%arg1, %dma_wait3A] : memref<16x10240xi32, #tpu.memory_space<vmem_shared>> -> memref<1x10240xi32, #tpu.memory_space<vmem_shared>>
      %dma_wait3A_53 = tpu.memref_squeeze %dma_wait3A_52 : memref<1x10240xi32, #tpu.memory_space<vmem_shared>> -> memref<10240xi32, #tpu.memory_space<vmem_shared>>
      %dma_wait3A_54 = arith.constant 0 : i32
      %dma_wait3A_55 = tpu.memref_slice %arg5[%arg1, %dma_wait3A_54] : memref<16x10240xi32, #tpu.memory_space<vmem_shared>> -> memref<1x10240xi32, #tpu.memory_space<vmem_shared>>
      %dma_wait3A_56 = tpu.memref_squeeze %dma_wait3A_55 : memref<1x10240xi32, #tpu.memory_space<vmem_shared>> -> memref<10240xi32, #tpu.memory_space<vmem_shared>>
      tpu.wait_dma2 semaphore(%run_scoped3A : memref<!tpu.dma_semaphore, #tpu.memory_space<semaphore_mem>>) src(%arg7 : memref<10240xi32, #tpu.memory_space<vmem>>) dst(%dma_wait3A_56 : memref<10240xi32, #tpu.memory_space<vmem_shared>>)
      tpu.yield
    }) : () -> ()
    %barrier3A = arith.constant 0 : index
    tpu.barrier barrier_id(%barrier3A)
    %mul3A_24 = arith.constant 640 : i32
    %mul3A_25 = arith.muli %arg1, %mul3A_24 : i32
    "tpu.region"() ({
      %run_scoped3A = tpu.sem_alloc : memref<!tpu.dma_semaphore, #tpu.memory_space<semaphore_mem>>
      %dma_start3A = arith.constant 0 : i32
      %dma_start3A_47 = tpu.memref_slice %arg5[%dma_start3A, %mul3A_25] : memref<16x10240xi32, #tpu.memory_space<vmem_shared>> -> memref<16x640xi32, #tpu.memory_space<vmem_shared>>
      %dma_start3A_48 = arith.constant 0 : i32
      %dma_start3A_49 = tpu.memref_slice %arg5[%dma_start3A_48, %mul3A_25] : memref<16x10240xi32, #tpu.memory_space<vmem_shared>> -> memref<16x640xi32, #tpu.memory_space<vmem_shared>>
      tpu.enqueue_dma source(%dma_start3A_49 : memref<16x640xi32, #tpu.memory_space<vmem_shared>>) target(%arg9 : memref<16x640xi32, #tpu.memory_space<vmem>>) target_semaphore(%run_scoped3A : memref<!tpu.dma_semaphore, #tpu.memory_space<semaphore_mem>>)
      %dma_wait3A = arith.constant 0 : i32
      %dma_wait3A_50 = tpu.memref_slice %arg5[%dma_wait3A, %mul3A_25] : memref<16x10240xi32, #tpu.memory_space<vmem_shared>> -> memref<16x640xi32, #tpu.memory_space<vmem_shared>>
      %dma_wait3A_51 = arith.constant 0 : i32
      %dma_wait3A_52 = tpu.memref_slice %arg5[%dma_wait3A_51, %mul3A_25] : memref<16x10240xi32, #tpu.memory_space<vmem_shared>> -> memref<16x640xi32, #tpu.memory_space<vmem_shared>>
      tpu.wait_dma2 semaphore(%run_scoped3A : memref<!tpu.dma_semaphore, #tpu.memory_space<semaphore_mem>>) src(%dma_wait3A_52 : memref<16x640xi32, #tpu.memory_space<vmem_shared>>) dst(%arg9 : memref<16x640xi32, #tpu.memory_space<vmem>>)
      tpu.yield
    }) : () -> ()
    %scan3A_26 = arith.constant 0 : i32
    %scan3A_27 = arith.constant 0 : i32
    %scan3A_28 = arith.constant 40 : i32
    %scan3A_29 = arith.addi %scan3A_27, %scan3A_28 : i32
    %scan3A_30 = arith.constant 1 : i32
    scf.for %scan3A_47 = %scan3A_27 to %scan3A_29 step %scan3A_30  : i32 {
      %mul3A_48 = arith.constant 16 : i32
      %mul3A_49 = arith.muli %scan3A_47, %mul3A_48 : i32
      %get3A = arith.constant 0 : i32
      %get3A_50 = arith.index_cast %get3A : i32 to index
      %get3A_51 = arith.index_cast %mul3A_49 : i32 to index
      %get3A_52 = tpu.vector_load %arg9[%get3A_50, %get3A_51] {strides = array<i32>} : memref<16x640xi32, #tpu.memory_space<vmem>>, vector<16xi32>,
      %max3A = arith.maxsi %broadcast_in_dim3A_0, %get3A_52 : vector<16xi32>
      %mul3A_53 = arith.constant 16 : i32
      %mul3A_54 = arith.muli %scan3A_47, %mul3A_53 : i32
      %get3A_55 = arith.constant 1 : i32
      %get3A_56 = arith.index_cast %get3A_55 : i32 to index
      %get3A_57 = arith.index_cast %mul3A_54 : i32 to index
      %get3A_58 = tpu.vector_load %arg9[%get3A_56, %get3A_57] {strides = array<i32>} : memref<16x640xi32, #tpu.memory_space<vmem>>, vector<16xi32>,
      %max3A_59 = arith.maxsi %max3A, %get3A_58 : vector<16xi32>
      %mul3A_60 = arith.constant 16 : i32
      %mul3A_61 = arith.muli %scan3A_47, %mul3A_60 : i32
      %get3A_62 = arith.constant 2 : i32
      %get3A_63 = arith.index_cast %get3A_62 : i32 to index
      %get3A_64 = arith.index_cast %mul3A_61 : i32 to index
      %get3A_65 = tpu.vector_load %arg9[%get3A_63, %get3A_64] {strides = array<i32>} : memref<16x640xi32, #tpu.memory_space<vmem>>, vector<16xi32>,
      %max3A_66 = arith.maxsi %max3A_59, %get3A_65 : vector<16xi32>
      %mul3A_67 = arith.constant 16 : i32
      %mul3A_68 = arith.muli %scan3A_47, %mul3A_67 : i32
      %get3A_69 = arith.constant 3 : i32
      %get3A_70 = arith.index_cast %get3A_69 : i32 to index
      %get3A_71 = arith.index_cast %mul3A_68 : i32 to index
      %get3A_72 = tpu.vector_load %arg9[%get3A_70, %get3A_71] {strides = array<i32>} : memref<16x640xi32, #tpu.memory_space<vmem>>, vector<16xi32>,
      %max3A_73 = arith.maxsi %max3A_66, %get3A_72 : vector<16xi32>
      %mul3A_74 = arith.constant 16 : i32
      %mul3A_75 = arith.muli %scan3A_47, %mul3A_74 : i32
      %get3A_76 = arith.constant 4 : i32
      %get3A_77 = arith.index_cast %get3A_76 : i32 to index
      %get3A_78 = arith.index_cast %mul3A_75 : i32 to index
      %get3A_79 = tpu.vector_load %arg9[%get3A_77, %get3A_78] {strides = array<i32>} : memref<16x640xi32, #tpu.memory_space<vmem>>, vector<16xi32>,
      %max3A_80 = arith.maxsi %max3A_73, %get3A_79 : vector<16xi32>
      %mul3A_81 = arith.constant 16 : i32
      %mul3A_82 = arith.muli %scan3A_47, %mul3A_81 : i32
      %get3A_83 = arith.constant 5 : i32
      %get3A_84 = arith.index_cast %get3A_83 : i32 to index
      %get3A_85 = arith.index_cast %mul3A_82 : i32 to index
      %get3A_86 = tpu.vector_load %arg9[%get3A_84, %get3A_85] {strides = array<i32>} : memref<16x640xi32, #tpu.memory_space<vmem>>, vector<16xi32>,
      %max3A_87 = arith.maxsi %max3A_80, %get3A_86 : vector<16xi32>
      %mul3A_88 = arith.constant 16 : i32
      %mul3A_89 = arith.muli %scan3A_47, %mul3A_88 : i32
      %get3A_90 = arith.constant 6 : i32
      %get3A_91 = arith.index_cast %get3A_90 : i32 to index
      %get3A_92 = arith.index_cast %mul3A_89 : i32 to index
      %get3A_93 = tpu.vector_load %arg9[%get3A_91, %get3A_92] {strides = array<i32>} : memref<16x640xi32, #tpu.memory_space<vmem>>, vector<16xi32>,
      %max3A_94 = arith.maxsi %max3A_87, %get3A_93 : vector<16xi32>
      %mul3A_95 = arith.constant 16 : i32
      %mul3A_96 = arith.muli %scan3A_47, %mul3A_95 : i32
      %get3A_97 = arith.constant 7 : i32
      %get3A_98 = arith.index_cast %get3A_97 : i32 to index
      %get3A_99 = arith.index_cast %mul3A_96 : i32 to index
      %get3A_100 = tpu.vector_load %arg9[%get3A_98, %get3A_99] {strides = array<i32>} : memref<16x640xi32, #tpu.memory_space<vmem>>, vector<16xi32>,
      %max3A_101 = arith.maxsi %max3A_94, %get3A_100 : vector<16xi32>
      %mul3A_102 = arith.constant 16 : i32
      %mul3A_103 = arith.muli %scan3A_47, %mul3A_102 : i32
      %get3A_104 = arith.constant 8 : i32
      %get3A_105 = arith.index_cast %get3A_104 : i32 to index
      %get3A_106 = arith.index_cast %mul3A_103 : i32 to index
      %get3A_107 = tpu.vector_load %arg9[%get3A_105, %get3A_106] {strides = array<i32>} : memref<16x640xi32, #tpu.memory_space<vmem>>, vector<16xi32>,
      %max3A_108 = arith.maxsi %max3A_101, %get3A_107 : vector<16xi32>
      %mul3A_109 = arith.constant 16 : i32
      %mul3A_110 = arith.muli %scan3A_47, %mul3A_109 : i32
      %get3A_111 = arith.constant 9 : i32
      %get3A_112 = arith.index_cast %get3A_111 : i32 to index
      %get3A_113 = arith.index_cast %mul3A_110 : i32 to index
      %get3A_114 = tpu.vector_load %arg9[%get3A_112, %get3A_113] {strides = array<i32>} : memref<16x640xi32, #tpu.memory_space<vmem>>, vector<16xi32>,
      %max3A_115 = arith.maxsi %max3A_108, %get3A_114 : vector<16xi32>
      %mul3A_116 = arith.constant 16 : i32
      %mul3A_117 = arith.muli %scan3A_47, %mul3A_116 : i32
      %get3A_118 = arith.constant 10 : i32
      %get3A_119 = arith.index_cast %get3A_118 : i32 to index
      %get3A_120 = arith.index_cast %mul3A_117 : i32 to index
      %get3A_121 = tpu.vector_load %arg9[%get3A_119, %get3A_120] {strides = array<i32>} : memref<16x640xi32, #tpu.memory_space<vmem>>, vector<16xi32>,
      %max3A_122 = arith.maxsi %max3A_115, %get3A_121 : vector<16xi32>
      %mul3A_123 = arith.constant 16 : i32
      %mul3A_124 = arith.muli %scan3A_47, %mul3A_123 : i32
      %get3A_125 = arith.constant 11 : i32
      %get3A_126 = arith.index_cast %get3A_125 : i32 to index
      %get3A_127 = arith.index_cast %mul3A_124 : i32 to index
      %get3A_128 = tpu.vector_load %arg9[%get3A_126, %get3A_127] {strides = array<i32>} : memref<16x640xi32, #tpu.memory_space<vmem>>, vector<16xi32>,
      %max3A_129 = arith.maxsi %max3A_122, %get3A_128 : vector<16xi32>
      %mul3A_130 = arith.constant 16 : i32
      %mul3A_131 = arith.muli %scan3A_47, %mul3A_130 : i32
      %get3A_132 = arith.constant 12 : i32
      %get3A_133 = arith.index_cast %get3A_132 : i32 to index
      %get3A_134 = arith.index_cast %mul3A_131 : i32 to index
      %get3A_135 = tpu.vector_load %arg9[%get3A_133, %get3A_134] {strides = array<i32>} : memref<16x640xi32, #tpu.memory_space<vmem>>, vector<16xi32>,
      %max3A_136 = arith.maxsi %max3A_129, %get3A_135 : vector<16xi32>
      %mul3A_137 = arith.constant 16 : i32
      %mul3A_138 = arith.muli %scan3A_47, %mul3A_137 : i32
      %get3A_139 = arith.constant 13 : i32
      %get3A_140 = arith.index_cast %get3A_139 : i32 to index
      %get3A_141 = arith.index_cast %mul3A_138 : i32 to index
      %get3A_142 = tpu.vector_load %arg9[%get3A_140, %get3A_141] {strides = array<i32>} : memref<16x640xi32, #tpu.memory_space<vmem>>, vector<16xi32>,
      %max3A_143 = arith.maxsi %max3A_136, %get3A_142 : vector<16xi32>
      %mul3A_144 = arith.constant 16 : i32
      %mul3A_145 = arith.muli %scan3A_47, %mul3A_144 : i32
      %get3A_146 = arith.constant 14 : i32
      %get3A_147 = arith.index_cast %get3A_146 : i32 to index
      %get3A_148 = arith.index_cast %mul3A_145 : i32 to index
      %get3A_149 = tpu.vector_load %arg9[%get3A_147, %get3A_148] {strides = array<i32>} : memref<16x640xi32, #tpu.memory_space<vmem>>, vector<16xi32>,
      %max3A_150 = arith.maxsi %max3A_143, %get3A_149 : vector<16xi32>
      %mul3A_151 = arith.constant 16 : i32
      %mul3A_152 = arith.muli %scan3A_47, %mul3A_151 : i32
      %get3A_153 = arith.constant 15 : i32
      %get3A_154 = arith.index_cast %get3A_153 : i32 to index
      %get3A_155 = arith.index_cast %mul3A_152 : i32 to index
      %get3A_156 = tpu.vector_load %arg9[%get3A_154, %get3A_155] {strides = array<i32>} : memref<16x640xi32, #tpu.memory_space<vmem>>, vector<16xi32>,
      %max3A_157 = arith.maxsi %max3A_150, %get3A_156 : vector<16xi32>
      %mul3A_158 = arith.constant 16 : i32
      %mul3A_159 = arith.muli %scan3A_47, %mul3A_158 : i32
      %swap3A = arith.index_cast %mul3A_159 : i32 to index
      %swap3A_160 = tpu.vector_load %arg10[%swap3A] {strides = array<i32>} : memref<640xi32, #tpu.memory_space<vmem>>, vector<16xi32>,
      tpu.vector_store %arg10[%swap3A], %max3A_157 {strides = array<i32>} : memref<640xi32, #tpu.memory_space<vmem>>, vector<16xi32>,
    }
    %scan3A_31 = arith.constant 40 : i32
    %barrier3A_32 = arith.constant 0 : index
    tpu.barrier barrier_id(%barrier3A_32)
    "tpu.region"() ({
      %run_scoped3A = tpu.sem_alloc : memref<!tpu.dma_semaphore, #tpu.memory_space<semaphore_mem>>
      %dma_start3A = arith.constant 0 : i32
      %dma_start3A_47 = tpu.memref_slice %arg5[%arg1, %dma_start3A] : memref<16x10240xi32, #tpu.memory_space<vmem_shared>> -> memref<1x10240xi32, #tpu.memory_space<vmem_shared>>
      %dma_start3A_48 = tpu.memref_squeeze %dma_start3A_47 : memref<1x10240xi32, #tpu.memory_space<vmem_shared>> -> memref<10240xi32, #tpu.memory_space<vmem_shared>>
      %dma_start3A_49 = arith.constant 0 : i32
      %dma_start3A_50 = tpu.memref_slice %arg5[%arg1, %dma_start3A_49] : memref<16x10240xi32, #tpu.memory_space<vmem_shared>> -> memref<1x10240xi32, #tpu.memory_space<vmem_shared>>
      %dma_start3A_51 = tpu.memref_squeeze %dma_start3A_50 : memref<1x10240xi32, #tpu.memory_space<vmem_shared>> -> memref<10240xi32, #tpu.memory_space<vmem_shared>>
      tpu.enqueue_dma source(%arg8 : memref<10240xi32, #tpu.memory_space<vmem>>) target(%dma_start3A_51 : memref<10240xi32, #tpu.memory_space<vmem_shared>>) target_semaphore(%run_scoped3A : memref<!tpu.dma_semaphore, #tpu.memory_space<semaphore_mem>>)
      %dma_wait3A = arith.constant 0 : i32
      %dma_wait3A_52 = tpu.memref_slice %arg5[%arg1, %dma_wait3A] : memref<16x10240xi32, #tpu.memory_space<vmem_shared>> -> memref<1x10240xi32, #tpu.memory_space<vmem_shared>>
      %dma_wait3A_53 = tpu.memref_squeeze %dma_wait3A_52 : memref<1x10240xi32, #tpu.memory_space<vmem_shared>> -> memref<10240xi32, #tpu.memory_space<vmem_shared>>
      %dma_wait3A_54 = arith.constant 0 : i32
      %dma_wait3A_55 = tpu.memref_slice %arg5[%arg1, %dma_wait3A_54] : memref<16x10240xi32, #tpu.memory_space<vmem_shared>> -> memref<1x10240xi32, #tpu.memory_space<vmem_shared>>
      %dma_wait3A_56 = tpu.memref_squeeze %dma_wait3A_55 : memref<1x10240xi32, #tpu.memory_space<vmem_shared>> -> memref<10240xi32, #tpu.memory_space<vmem_shared>>
      tpu.wait_dma2 semaphore(%run_scoped3A : memref<!tpu.dma_semaphore, #tpu.memory_space<semaphore_mem>>) src(%arg8 : memref<10240xi32, #tpu.memory_space<vmem>>) dst(%dma_wait3A_56 : memref<10240xi32, #tpu.memory_space<vmem_shared>>)
      tpu.yield
    }) : () -> ()
    %barrier3A_33 = arith.constant 0 : index
    tpu.barrier barrier_id(%barrier3A_33)
    %mul3A_34 = arith.constant 640 : i32
    %mul3A_35 = arith.muli %arg1, %mul3A_34 : i32
    "tpu.region"() ({
      %run_scoped3A = tpu.sem_alloc : memref<!tpu.dma_semaphore, #tpu.memory_space<semaphore_mem>>
      %dma_start3A = arith.constant 0 : i32
      %dma_start3A_47 = tpu.memref_slice %arg5[%dma_start3A, %mul3A_35] : memref<16x10240xi32, #tpu.memory_space<vmem_shared>> -> memref<16x640xi32, #tpu.memory_space<vmem_shared>>
      %dma_start3A_48 = arith.constant 0 : i32
      %dma_start3A_49 = tpu.memref_slice %arg5[%dma_start3A_48, %mul3A_35] : memref<16x10240xi32, #tpu.memory_space<vmem_shared>> -> memref<16x640xi32, #tpu.memory_space<vmem_shared>>
      tpu.enqueue_dma source(%dma_start3A_49 : memref<16x640xi32, #tpu.memory_space<vmem_shared>>) target(%arg9 : memref<16x640xi32, #tpu.memory_space<vmem>>) target_semaphore(%run_scoped3A : memref<!tpu.dma_semaphore, #tpu.memory_space<semaphore_mem>>)
      %dma_wait3A = arith.constant 0 : i32
      %dma_wait3A_50 = tpu.memref_slice %arg5[%dma_wait3A, %mul3A_35] : memref<16x10240xi32, #tpu.memory_space<vmem_shared>> -> memref<16x640xi32, #tpu.memory_space<vmem_shared>>
      %dma_wait3A_51 = arith.constant 0 : i32
      %dma_wait3A_52 = tpu.memref_slice %arg5[%dma_wait3A_51, %mul3A_35] : memref<16x10240xi32, #tpu.memory_space<vmem_shared>> -> memref<16x640xi32, #tpu.memory_space<vmem_shared>>
      tpu.wait_dma2 semaphore(%run_scoped3A : memref<!tpu.dma_semaphore, #tpu.memory_space<semaphore_mem>>) src(%dma_wait3A_52 : memref<16x640xi32, #tpu.memory_space<vmem_shared>>) dst(%arg9 : memref<16x640xi32, #tpu.memory_space<vmem>>)
      tpu.yield
    }) : () -> ()
    %scan3A_36 = arith.constant 0 : i32
    %scan3A_37 = arith.constant 0 : i32
    %scan3A_38 = arith.constant 40 : i32
    %scan3A_39 = arith.addi %scan3A_37, %scan3A_38 : i32
    %scan3A_40 = arith.constant 1 : i32
    scf.for %scan3A_47 = %scan3A_37 to %scan3A_39 step %scan3A_40  : i32 {
      %mul3A_48 = arith.constant 16 : i32
      %mul3A_49 = arith.muli %scan3A_47, %mul3A_48 : i32
      %get3A = arith.constant 0 : i32
      %get3A_50 = arith.index_cast %get3A : i32 to index
      %get3A_51 = arith.index_cast %mul3A_49 : i32 to index
      %get3A_52 = tpu.vector_load %arg9[%get3A_50, %get3A_51] {strides = array<i32>} : memref<16x640xi32, #tpu.memory_space<vmem>>, vector<16xi32>,
      %max3A = arith.maxsi %broadcast_in_dim3A_0, %get3A_52 : vector<16xi32>
      %mul3A_53 = arith.constant 16 : i32
      %mul3A_54 = arith.muli %scan3A_47, %mul3A_53 : i32
      %get3A_55 = arith.constant 1 : i32
      %get3A_56 = arith.index_cast %get3A_55 : i32 to index
      %get3A_57 = arith.index_cast %mul3A_54 : i32 to index
      %get3A_58 = tpu.vector_load %arg9[%get3A_56, %get3A_57] {strides = array<i32>} : memref<16x640xi32, #tpu.memory_space<vmem>>, vector<16xi32>,
      %max3A_59 = arith.maxsi %max3A, %get3A_58 : vector<16xi32>
      %mul3A_60 = arith.constant 16 : i32
      %mul3A_61 = arith.muli %scan3A_47, %mul3A_60 : i32
      %get3A_62 = arith.constant 2 : i32
      %get3A_63 = arith.index_cast %get3A_62 : i32 to index
      %get3A_64 = arith.index_cast %mul3A_61 : i32 to index
      %get3A_65 = tpu.vector_load %arg9[%get3A_63, %get3A_64] {strides = array<i32>} : memref<16x640xi32, #tpu.memory_space<vmem>>, vector<16xi32>,
      %max3A_66 = arith.maxsi %max3A_59, %get3A_65 : vector<16xi32>
      %mul3A_67 = arith.constant 16 : i32
      %mul3A_68 = arith.muli %scan3A_47, %mul3A_67 : i32
      %get3A_69 = arith.constant 3 : i32
      %get3A_70 = arith.index_cast %get3A_69 : i32 to index
      %get3A_71 = arith.index_cast %mul3A_68 : i32 to index
      %get3A_72 = tpu.vector_load %arg9[%get3A_70, %get3A_71] {strides = array<i32>} : memref<16x640xi32, #tpu.memory_space<vmem>>, vector<16xi32>,
      %max3A_73 = arith.maxsi %max3A_66, %get3A_72 : vector<16xi32>
      %mul3A_74 = arith.constant 16 : i32
      %mul3A_75 = arith.muli %scan3A_47, %mul3A_74 : i32
      %get3A_76 = arith.constant 4 : i32
      %get3A_77 = arith.index_cast %get3A_76 : i32 to index
      %get3A_78 = arith.index_cast %mul3A_75 : i32 to index
      %get3A_79 = tpu.vector_load %arg9[%get3A_77, %get3A_78] {strides = array<i32>} : memref<16x640xi32, #tpu.memory_space<vmem>>, vector<16xi32>,
      %max3A_80 = arith.maxsi %max3A_73, %get3A_79 : vector<16xi32>
      %mul3A_81 = arith.constant 16 : i32
      %mul3A_82 = arith.muli %scan3A_47, %mul3A_81 : i32
      %get3A_83 = arith.constant 5 : i32
      %get3A_84 = arith.index_cast %get3A_83 : i32 to index
      %get3A_85 = arith.index_cast %mul3A_82 : i32 to index
      %get3A_86 = tpu.vector_load %arg9[%get3A_84, %get3A_85] {strides = array<i32>} : memref<16x640xi32, #tpu.memory_space<vmem>>, vector<16xi32>,
      %max3A_87 = arith.maxsi %max3A_80, %get3A_86 : vector<16xi32>
      %mul3A_88 = arith.constant 16 : i32
      %mul3A_89 = arith.muli %scan3A_47, %mul3A_88 : i32
      %get3A_90 = arith.constant 6 : i32
      %get3A_91 = arith.index_cast %get3A_90 : i32 to index
      %get3A_92 = arith.index_cast %mul3A_89 : i32 to index
      %get3A_93 = tpu.vector_load %arg9[%get3A_91, %get3A_92] {strides = array<i32>} : memref<16x640xi32, #tpu.memory_space<vmem>>, vector<16xi32>,
      %max3A_94 = arith.maxsi %max3A_87, %get3A_93 : vector<16xi32>
      %mul3A_95 = arith.constant 16 : i32
      %mul3A_96 = arith.muli %scan3A_47, %mul3A_95 : i32
      %get3A_97 = arith.constant 7 : i32
      %get3A_98 = arith.index_cast %get3A_97 : i32 to index
      %get3A_99 = arith.index_cast %mul3A_96 : i32 to index
      %get3A_100 = tpu.vector_load %arg9[%get3A_98, %get3A_99] {strides = array<i32>} : memref<16x640xi32, #tpu.memory_space<vmem>>, vector<16xi32>,
      %max3A_101 = arith.maxsi %max3A_94, %get3A_100 : vector<16xi32>
      %mul3A_102 = arith.constant 16 : i32
      %mul3A_103 = arith.muli %scan3A_47, %mul3A_102 : i32
      %get3A_104 = arith.constant 8 : i32
      %get3A_105 = arith.index_cast %get3A_104 : i32 to index
      %get3A_106 = arith.index_cast %mul3A_103 : i32 to index
      %get3A_107 = tpu.vector_load %arg9[%get3A_105, %get3A_106] {strides = array<i32>} : memref<16x640xi32, #tpu.memory_space<vmem>>, vector<16xi32>,
      %max3A_108 = arith.maxsi %max3A_101, %get3A_107 : vector<16xi32>
      %mul3A_109 = arith.constant 16 : i32
      %mul3A_110 = arith.muli %scan3A_47, %mul3A_109 : i32
      %get3A_111 = arith.constant 9 : i32
      %get3A_112 = arith.index_cast %get3A_111 : i32 to index
      %get3A_113 = arith.index_cast %mul3A_110 : i32 to index
      %get3A_114 = tpu.vector_load %arg9[%get3A_112, %get3A_113] {strides = array<i32>} : memref<16x640xi32, #tpu.memory_space<vmem>>, vector<16xi32>,
      %max3A_115 = arith.maxsi %max3A_108, %get3A_114 : vector<16xi32>
      %mul3A_116 = arith.constant 16 : i32
      %mul3A_117 = arith.muli %scan3A_47, %mul3A_116 : i32
      %get3A_118 = arith.constant 10 : i32
      %get3A_119 = arith.index_cast %get3A_118 : i32 to index
      %get3A_120 = arith.index_cast %mul3A_117 : i32 to index
      %get3A_121 = tpu.vector_load %arg9[%get3A_119, %get3A_120] {strides = array<i32>} : memref<16x640xi32, #tpu.memory_space<vmem>>, vector<16xi32>,
      %max3A_122 = arith.maxsi %max3A_115, %get3A_121 : vector<16xi32>
      %mul3A_123 = arith.constant 16 : i32
      %mul3A_124 = arith.muli %scan3A_47, %mul3A_123 : i32
      %get3A_125 = arith.constant 11 : i32
      %get3A_126 = arith.index_cast %get3A_125 : i32 to index
      %get3A_127 = arith.index_cast %mul3A_124 : i32 to index
      %get3A_128 = tpu.vector_load %arg9[%get3A_126, %get3A_127] {strides = array<i32>} : memref<16x640xi32, #tpu.memory_space<vmem>>, vector<16xi32>,
      %max3A_129 = arith.maxsi %max3A_122, %get3A_128 : vector<16xi32>
      %mul3A_130 = arith.constant 16 : i32
      %mul3A_131 = arith.muli %scan3A_47, %mul3A_130 : i32
      %get3A_132 = arith.constant 12 : i32
      %get3A_133 = arith.index_cast %get3A_132 : i32 to index
      %get3A_134 = arith.index_cast %mul3A_131 : i32 to index
      %get3A_135 = tpu.vector_load %arg9[%get3A_133, %get3A_134] {strides = array<i32>} : memref<16x640xi32, #tpu.memory_space<vmem>>, vector<16xi32>,
      %max3A_136 = arith.maxsi %max3A_129, %get3A_135 : vector<16xi32>
      %mul3A_137 = arith.constant 16 : i32
      %mul3A_138 = arith.muli %scan3A_47, %mul3A_137 : i32
      %get3A_139 = arith.constant 13 : i32
      %get3A_140 = arith.index_cast %get3A_139 : i32 to index
      %get3A_141 = arith.index_cast %mul3A_138 : i32 to index
      %get3A_142 = tpu.vector_load %arg9[%get3A_140, %get3A_141] {strides = array<i32>} : memref<16x640xi32, #tpu.memory_space<vmem>>, vector<16xi32>,
      %max3A_143 = arith.maxsi %max3A_136, %get3A_142 : vector<16xi32>
      %mul3A_144 = arith.constant 16 : i32
      %mul3A_145 = arith.muli %scan3A_47, %mul3A_144 : i32
      %get3A_146 = arith.constant 14 : i32
      %get3A_147 = arith.index_cast %get3A_146 : i32 to index
      %get3A_148 = arith.index_cast %mul3A_145 : i32 to index
      %get3A_149 = tpu.vector_load %arg9[%get3A_147, %get3A_148] {strides = array<i32>} : memref<16x640xi32, #tpu.memory_space<vmem>>, vector<16xi32>,
      %max3A_150 = arith.maxsi %max3A_143, %get3A_149 : vector<16xi32>
      %mul3A_151 = arith.constant 16 : i32
      %mul3A_152 = arith.muli %scan3A_47, %mul3A_151 : i32
      %get3A_153 = arith.constant 15 : i32
      %get3A_154 = arith.index_cast %get3A_153 : i32 to index
      %get3A_155 = arith.index_cast %mul3A_152 : i32 to index
      %get3A_156 = tpu.vector_load %arg9[%get3A_154, %get3A_155] {strides = array<i32>} : memref<16x640xi32, #tpu.memory_space<vmem>>, vector<16xi32>,
      %max3A_157 = arith.maxsi %max3A_150, %get3A_156 : vector<16xi32>
      %mul3A_158 = arith.constant 16 : i32
      %mul3A_159 = arith.muli %scan3A_47, %mul3A_158 : i32
      %get3A_160 = arith.index_cast %mul3A_159 : i32 to index
      %get3A_161 = tpu.vector_load %arg10[%get3A_160] {strides = array<i32>} : memref<640xi32, #tpu.memory_space<vmem>>, vector<16xi32>,
      %sub3A = arith.subi %max3A_157, %get3A_161 : vector<16xi32>
      %add3A = arith.constant 1 : i32
      %add3A_162 = vector.broadcast %add3A : i32 to vector<16xi32>
      %add3A_163 = arith.addi %sub3A, %add3A_162 : vector<16xi32>
      %shift_right_arithmetic3A = arith.constant 1 : i32
      %shift_right_arithmetic3A_164 = vector.broadcast %shift_right_arithmetic3A : i32 to vector<16xi32>
      %shift_right_arithmetic3A_165 = arith.shrsi %add3A_163, %shift_right_arithmetic3A_164 : vector<16xi32>
      %add3A_166 = arith.addi %get3A_161, %shift_right_arithmetic3A_165 : vector<16xi32>
      %mul3A_167 = arith.constant 16 : i32
      %mul3A_168 = arith.muli %scan3A_47, %mul3A_167 : i32
      %swap3A = arith.index_cast %mul3A_168 : i32 to index
      %swap3A_169 = tpu.vector_load %arg10[%swap3A] {strides = array<i32>} : memref<640xi32, #tpu.memory_space<vmem>>, vector<16xi32>,
      tpu.vector_store %arg10[%swap3A], %add3A_166 {strides = array<i32>} : memref<640xi32, #tpu.memory_space<vmem>>, vector<16xi32>,
      %convert_element_type3A_170 = arith.sitofp %shift_right_arithmetic3A_165 : vector<16xi32> to vector<16xf32>
      %mul3A_171 = arith.constant 16 : i32
      %mul3A_172 = arith.muli %scan3A_47, %mul3A_171 : i32
      %swap3A_173 = arith.index_cast %mul3A_172 : i32 to index
      %swap3A_174 = tpu.vector_load %arg11[%swap3A_173] {strides = array<i32>} : memref<640xf32, #tpu.memory_space<vmem>>, vector<16xf32>,
      tpu.vector_store %arg11[%swap3A_173], %convert_element_type3A_170 {strides = array<i32>} : memref<640xf32, #tpu.memory_space<vmem>>, vector<16xf32>,
    }
    %scan3A_41 = arith.constant 40 : i32
    %eq3A_42 = arith.constant 0 : i32
    %eq3A_43 = arith.cmpi eq, %arg0, %eq3A_42 : i32
    %convert_element_type3A_44 = arith.extui %eq3A_43 : i1 to i32
    %cond3A_45 = arith.constant 0 : i32
    %cond3A_46 = arith.cmpi ne, %convert_element_type3A_44, %cond3A_45 : i32
    scf.if %cond3A_46 {
      %mul3A_47 = arith.constant 640 : i32
      %mul3A_48 = arith.muli %arg1, %mul3A_47 : i32
      "tpu.region"() ({
        %run_scoped3A = tpu.sem_alloc : memref<!tpu.dma_semaphore, #tpu.memory_space<semaphore_mem>>
        %dma_start3A = tpu.memref_slice %arg3[%mul3A_48] : memref<10240xi32, #tpu.memory_space<hbm>> -> memref<640xi32, #tpu.memory_space<hbm>>
        %dma_start3A_51 = tpu.memref_slice %arg3[%mul3A_48] : memref<10240xi32, #tpu.memory_space<hbm>> -> memref<640xi32, #tpu.memory_space<hbm>>
        tpu.enqueue_dma source(%arg10 : memref<640xi32, #tpu.memory_space<vmem>>) target(%dma_start3A_51 : memref<640xi32, #tpu.memory_space<hbm>>) target_semaphore(%run_scoped3A : memref<!tpu.dma_semaphore, #tpu.memory_space<semaphore_mem>>)
        %dma_wait3A = tpu.memref_slice %arg3[%mul3A_48] : memref<10240xi32, #tpu.memory_space<hbm>> -> memref<640xi32, #tpu.memory_space<hbm>>
        %dma_wait3A_52 = tpu.memref_slice %arg3[%mul3A_48] : memref<10240xi32, #tpu.memory_space<hbm>> -> memref<640xi32, #tpu.memory_space<hbm>>
        tpu.wait_dma2 semaphore(%run_scoped3A : memref<!tpu.dma_semaphore, #tpu.memory_space<semaphore_mem>>) src(%arg10 : memref<640xi32, #tpu.memory_space<vmem>>) dst(%dma_wait3A_52 : memref<640xi32, #tpu.memory_space<hbm>>)
        tpu.yield
      }) : () -> ()
      %mul3A_49 = arith.constant 640 : i32
      %mul3A_50 = arith.muli %arg1, %mul3A_49 : i32
      "tpu.region"() ({
        %run_scoped3A = tpu.sem_alloc : memref<!tpu.dma_semaphore, #tpu.memory_space<semaphore_mem>>
        %dma_start3A = tpu.memref_slice %arg4[%mul3A_50] : memref<10240xf32, #tpu.memory_space<hbm>> -> memref<640xf32, #tpu.memory_space<hbm>>
        %dma_start3A_51 = tpu.memref_slice %arg4[%mul3A_50] : memref<10240xf32, #tpu.memory_space<hbm>> -> memref<640xf32, #tpu.memory_space<hbm>>
        tpu.enqueue_dma source(%arg11 : memref<640xf32, #tpu.memory_space<vmem>>) target(%dma_start3A_51 : memref<640xf32, #tpu.memory_space<hbm>>) target_semaphore(%run_scoped3A : memref<!tpu.dma_semaphore, #tpu.memory_space<semaphore_mem>>)
        %dma_wait3A = tpu.memref_slice %arg4[%mul3A_50] : memref<10240xf32, #tpu.memory_space<hbm>> -> memref<640xf32, #tpu.memory_space<hbm>>
        %dma_wait3A_52 = tpu.memref_slice %arg4[%mul3A_50] : memref<10240xf32, #tpu.memory_space<hbm>> -> memref<640xf32, #tpu.memory_space<hbm>>
        tpu.wait_dma2 semaphore(%run_scoped3A : memref<!tpu.dma_semaphore, #tpu.memory_space<semaphore_mem>>) src(%arg11 : memref<640xf32, #tpu.memory_space<vmem>>) dst(%dma_wait3A_52 : memref<640xf32, #tpu.memory_space<hbm>>)
        tpu.yield
      }) : () -> ()
    } else {
    }
    return
  }
}

module attributes {stable_mosaic.version = 14 : i64} {
  func.func @body(%arg0: i32, %arg1: memref<1000x128xf32, #tpu.memory_space<vmem>>, %arg2: memref<1x1000x128xf32, #tpu.memory_space<vmem>>, %arg3: memref<1x1000x128xf32, #tpu.memory_space<vmem>>, %arg4: memref<1000x1xf32, #tpu.memory_space<vmem>>, %arg5: memref<128x128xf32, #tpu.memory_space<vmem>>, %arg6: memref<1x128xf32, #tpu.memory_space<vmem>>, %arg7: memref<1000x128xf32, #tpu.memory_space<vmem>>) attributes {dimension_semantics = [#tpu.dimension_semantics<arbitrary>], iteration_bounds = array<i64: 10>, scalar_prefetch = 0 : i64, scratch_operands = 0 : i64, tpu.core_type = #tpu.core_type<tc>, window_params = [{transform_indices = @transform_0, window_bounds = array<i64: 1000, 128>}, {transform_indices = @transform_1, window_bounds = array<i64: 1, 1000, 128>}, {transform_indices = @transform_2, window_bounds = array<i64: 1, 1000, 128>}, {transform_indices = @transform_3, window_bounds = array<i64: 1000, 1>}, {pipeline_mode = #tpu.pipeline_mode<synchronous>, transform_indices = @transform_4, window_bounds = array<i64: 128, 128>}, {pipeline_mode = #tpu.pipeline_mode<synchronous>, transform_indices = @transform_5, window_bounds = array<i64: 1, 128>}, {transform_indices = @transform_6, window_bounds = array<i64: 1000, 128>}]} {
    %get3A = arith.constant 0 : index
    %get3A_0 = arith.constant 0 : index
    %get3A_1 = arith.constant 0 : index
    %get3A_2 = vector.load %arg2[%get3A, %get3A_0, %get3A_1] : memref<1x1000x128xf32, #tpu.memory_space<vmem>>, vector<1x1000x128xf32>
    %get3A_3 = vector.shape_cast %get3A_2 : vector<1x1000x128xf32> to vector<1000x128xf32>
    %get3A_4 = arith.constant 0 : index
    %get3A_5 = arith.constant 0 : index
    %get3A_6 = arith.constant 0 : index
    %get3A_7 = vector.load %arg3[%get3A_4, %get3A_5, %get3A_6] : memref<1x1000x128xf32, #tpu.memory_space<vmem>>, vector<1x1000x128xf32>
    %get3A_8 = vector.shape_cast %get3A_7 : vector<1x1000x128xf32> to vector<1000x128xf32>
    %add3A = arith.addf %get3A_3, %get3A_8 : vector<1000x128xf32>
    %get3A_9 = arith.constant 0 : index
    %get3A_10 = arith.constant 0 : index
    %get3A_11 = vector.load %arg4[%get3A_9, %get3A_10] : memref<1000x1xf32, #tpu.memory_space<vmem>>, vector<1000x1xf32>
    %max3A = arith.constant 1.000000e+00 : f32
    %max3A_12 = vector.broadcast %max3A : f32 to vector<1000x1xf32>
    %max3A_13 = arith.maximumf %get3A_11, %max3A_12 : vector<1000x1xf32>
    %div3A = arith.constant 5.000000e-01 : f32
    %div3A_14 = vector.broadcast %div3A : f32 to vector<1000x1xf32>
    %div3A_15 = arith.divf %div3A_14, %max3A_13 : vector<1000x1xf32>
    %get3A_16 = arith.constant 0 : index
    %get3A_17 = arith.constant 0 : index
    %get3A_18 = vector.load %arg1[%get3A_16, %get3A_17] : memref<1000x128xf32, #tpu.memory_space<vmem>>, vector<1000x128xf32>
    %mul3A = vector.broadcast %div3A_15 : vector<1000x1xf32> to vector<1000x128xf32>
    %mul3A_19 = arith.mulf %add3A, %mul3A : vector<1000x128xf32>
    %add3A_20 = arith.addf %get3A_18, %mul3A_19 : vector<1000x128xf32>
    %get3A_21 = arith.constant 0 : index
    %get3A_22 = arith.constant 0 : index
    %get3A_23 = vector.load %arg5[%get3A_21, %get3A_22] : memref<128x128xf32, #tpu.memory_space<vmem>>, vector<128x128xf32>
    %dot_general3A = arith.constant dense<0.000000e+00> : vector<1000x128xf32>
    %dot_general3A_24 = tpu.matmul %add3A_20, %get3A_23, %dot_general3A {dimension_numbers = #tpu.dot_dimension_numbers<[1], [0], [0], [1], [0, 0, 1, 1], [], []>, transpose_lhs_hint = false} : vector<1000x128xf32>, vector<128x128xf32>, vector<1000x128xf32> -> vector<1000x128xf32>
    %get3A_25 = arith.constant 0 : index
    %get3A_26 = arith.constant 0 : index
    %get3A_27 = vector.load %arg6[%get3A_25, %get3A_26] : memref<1x128xf32, #tpu.memory_space<vmem>>, vector<1x128xf32>
    %add3A_28 = vector.broadcast %get3A_27 : vector<1x128xf32> to vector<1000x128xf32>
    %add3A_29 = arith.addf %dot_general3A_24, %add3A_28 : vector<1000x128xf32>
    %swap3A = arith.constant 0 : index
    %swap3A_30 = arith.constant 0 : index
    %swap3A_31 = vector.load %arg7[%swap3A, %swap3A_30] : memref<1000x128xf32, #tpu.memory_space<vmem>>, vector<1000x128xf32>
    tpu.vector_store %arg7[%swap3A, %swap3A_30], %add3A_29 {strides = array<i32>} : memref<1000x128xf32, #tpu.memory_space<vmem>>, vector<1000x128xf32>,
    return
  }
  func.func @transform_0(%arg0: i32) -> (i32, i32) {
    %c0_i32 = arith.constant 0 : i32
    %c0_i32_0 = arith.constant 0 : i32
    return %arg0, %c0_i32 : i32, i32
  }
  func.func @transform_1(%arg0: i32) -> (i32, i32, i32) {
    %c0_i32 = arith.constant 0 : i32
    %c0_i32_0 = arith.constant 0 : i32
    %c0_i32_1 = arith.constant 0 : i32
    return %c0_i32, %arg0, %c0_i32_0 : i32, i32, i32
  }
  func.func @transform_2(%arg0: i32) -> (i32, i32, i32) {
    %c1_i32 = arith.constant 1 : i32
    %c0_i32 = arith.constant 0 : i32
    %c0_i32_0 = arith.constant 0 : i32
    return %c1_i32, %arg0, %c0_i32 : i32, i32, i32
  }
  func.func @transform_3(%arg0: i32) -> (i32, i32) {
    %c0_i32 = arith.constant 0 : i32
    %c0_i32_0 = arith.constant 0 : i32
    return %arg0, %c0_i32 : i32, i32
  }
  func.func @transform_4(%arg0: i32) -> (i32, i32) {
    %c0_i32 = arith.constant 0 : i32
    %c0_i32_0 = arith.constant 0 : i32
    %c0_i32_1 = arith.constant 0 : i32
    return %c0_i32, %c0_i32_0 : i32, i32
  }
  func.func @transform_5(%arg0: i32) -> (i32, i32) {
    %c0_i32 = arith.constant 0 : i32
    %c0_i32_0 = arith.constant 0 : i32
    %c0_i32_1 = arith.constant 0 : i32
    return %c0_i32, %c0_i32_0 : i32, i32
  }
  func.func @transform_6(%arg0: i32) -> (i32, i32) {
    %c0_i32 = arith.constant 0 : i32
    %c0_i32_0 = arith.constant 0 : i32
    return %arg0, %c0_i32 : i32, i32
  }
}

</mosaic_0001>

<sc_bundles>
// kernel: kernel.5.cloned.1.call-start
scs
__scs_entry_jumppad:
0x0: {  	(pc) =	sbr.rel $0x88, $3  }
0x1: {  	(tag) =	ssettag $0x0;
	lr =	simm.s32 $0x1  }
0x2: {  	[smem:$0x3F9D] =	sst lr;
	_ =	strace $0xD0000000  }
0x3: {  	_ = 	snop  }
0x4: {  	_ = 	snop  }
0x5: {  	_ = 	snop  }
0x6: {  	_ = 	snop  }
0x7: {  	_ = 	snop  }
__scs_overlays_trampoline_lowered:
0x8: {  	[smem:$0x3FAC] =	sst s0  }
0x9: {  	[smem:$0x3FAD] =	sst s1  }
0xa: {  	[smem:$0x3FAE] =	sst s2  }
0xb: {  	[smem:$0x3FAF] =	sst s3  }
0xc: {  	[smem:$0x3FB0] =	sst s4  }
0xd: {  	[smem:$0x3FB1] =	sst s5  }
0xe: {  	[smem:$0x3FB2] =	sst s6  }
0xf: {  	[smem:$0x3FB3] =	sst s7  }
0x10: {  	[smem:$0x3FB4] =	sst s8  }
0x11: {  	[smem:$0x3FB5] =	sst s9;
	s0 =	simm.s32 @!p0 $0x0  }
0x12: {  	s1 =	sld [smem:$0x3F9B];
	s0 =	simm.s32 @p0 $0x1  }
0x13: {  	[smem:$0x3FB6] =	sst s0;
	s0 =	simm.s32 @!p1 $0x0  }
0x14: {  	s2 =	sld [smem:$0x3F9A];
	s0 =	simm.s32 @p1 $0x1  }
0x15: {  	[smem:$0x3FB7] =	sst s0;
	s0 =	simm.s32 @!p2 $0x0  }
0x16: {  	s3 =	sld [smem:$0x3FDB];
	s0 =	simm.s32 @p2 $0x1  }
0x17: {  	s4 =	simm.s32 $0x1BF5;
	[smem:$0x3FB9] =	sst s0  }
0x18: {  	s0 =	sld [smem:$0x3F9C];
	_ =	swait.ge [sflag:s4], $0x0  }
0x19: {  	s7 =	sld [smem:$0x3F9D]  }
0x1a: {  	s8 =	sadd.s32 $0xFFFFE003, lr  }
0x1b: {  	s9 =	sadd.s32 $0xFFFFFEF7, lr;
	s5 =	simm.s32 $0xFFFFFFFF;
	p2 =	slt.u32 s8, $0xFFFFF086  }
0x1c: {  	p1 =	slt.u32 s9, $0xF7A;
	s5 =	simm.s32 @!p2 $0x0  }
0x1d: {  	s5 =	simm.s32 @p1 $0x1;
	p0 =	seq.s32 s7, s2  }
0x1e: {  	s7 =	smul.u32 @!p0 $0xF7A, s2;
	p2 =	seq.s32 @!p0 s5, $0x0  }
0x1f: {  	s9 =	smul.u32 $0xF7A, s1;
	s8 =	simm.s32 @!p0 $0x1BF5;
	p2 =	por !p2, p0  }
0x20: {  	[sflag:s8] =	ssyncset.s32 @!p0 $0xFFFFF086;
	s6 =	sadd.s32 @!p0 s3, s7;
	s7 =	simm.s32 @!p0 $0x108  }
0x21: {  	s3 =	sadd.s32 s3, s9;
	s6 =	sadd.s32 @!p0 $0x88, s6;
	s7 =	simm.s32 @p2 $0x1082  }
0x22: {  	[simem:s7], [sflag:s8] =	dma.local @!p0 [hbm:s6], $0xF7A  }
0x23: {  	s9 =	sor.u32 $0xD0000000, s2;
	s6 =	simm.s32 $0x108;
	_ =	swait.ge @!p0 [sflag:s8], $0x0  }
0x24: {  	s3 =	sadd.s32 $0x88, s3;
	s6 =	simm.s32 @!p1 $0x1082;
	[sflag:s4] =	ssyncset.s32 $0xFFFFF086  }
0x25: {  	[simem:s6], [sflag:s4] =	dma.local [hbm:s3], $0xF7A  }
0x26: {  	[smem:$0x3F9D] =	sst s1;
	(tag) =	ssettag s2;
	_ =	strace s9  }
0x27: {  	s1 =	sld [smem:$0x3FAD]  }
0x28: {  	s2 =	sld [smem:$0x3FAE]  }
0x29: {  	s4 =	sld [smem:$0x3FB0]  }
0x2a: {  	p0 =	seq.s32 s5, $0x0;
	s5 =	sld [smem:$0x3FB1]  }
0x2b: {  	s6 =	sld [smem:$0x3FB2]  }
0x2c: {  	s7 =	sld [smem:$0x3FB3]  }
0x2d: {  	s3 =	simm.s32 $0x108;
	s8 =	sld [smem:$0x3FB4]  }
0x2e: {  	s3 =	simm.s32 @!p0 $0x1082;
	s9 =	sld [smem:$0x3FB5]  }
0x2f: {  	lr =	sadd.s32 s0, s3;
	s0 =	sld [smem:$0x3FAC]  }
0x30: {  	s3 =	sld [smem:$0x3FAF]  }
0x31: {  	[smem:$0x3FB8] =	sst s10  }
0x32: {  	s10 =	sld [smem:$0x3FB6];
	_ =	sdelay $0x3  }
0x33: {  	p0 =	seq.s32 s10, $0x1;
	s10 =	sld [smem:$0x3FB8];
	_ =	sdelay $0x3  }
0x34: {  	[smem:$0x3FB8] =	sst s10  }
0x35: {  	s10 =	sld [smem:$0x3FB7];
	_ =	sdelay $0x3  }
0x36: {  	p1 =	seq.s32 s10, $0x1;
	s10 =	sld [smem:$0x3FB8];
	_ =	sdelay $0x3  }
0x37: {  	[smem:$0x3FB8] =	sst s10  }
0x38: {  	s10 =	sld [smem:$0x3FB9]  }
0x39: {  	_ = 	snop;
	(pc) =	sbr.ind lr, $3  }
0x3a: {  	_ = 	snop  }
0x3b: {  	_ = 	snop  }
0x3c: {  	p2 =	seq.s32 s10, $0x1;
	s10 =	sld [smem:$0x3FB8]  }
0x3d: {  	_ =	shalt  }
0x3e: {  	_ =	shalt  }
0x3f: {  	_ =	shalt  }
0x40: {  	_ =	shalt  }
0x41: {  	_ =	shalt  }
0x42: {  	_ =	shalt  }
0x43: {  	_ =	shalt  }
0x44: {  	_ =	shalt  }
0x45: {  	_ =	shalt  }
0x46: {  	_ =	shalt  }
0x47: {  	_ =	shalt  }
0x48: {  	_ =	shalt  }
0x49: {  	_ =	shalt  }
0x4a: {  	_ =	shalt  }
0x4b: {  	_ =	shalt  }
0x4c: {  	_ =	shalt  }
0x4d: {  	_ =	shalt  }
0x4e: {  	_ =	shalt  }
0x4f: {  	_ =	shalt  }
0x50: {  	_ =	shalt  }
0x51: {  	_ =	shalt  }
0x52: {  	_ =	shalt  }
0x53: {  	_ =	shalt  }
0x54: {  	_ =	shalt  }
0x55: {  	_ =	shalt  }
0x56: {  	_ =	shalt  }
0x57: {  	_ =	shalt  }
0x58: {  	_ =	shalt  }
0x59: {  	_ =	shalt  }
0x5a: {  	_ =	shalt  }
0x5b: {  	_ =	shalt  }
0x5c: {  	_ =	shalt  }
0x5d: {  	_ =	shalt  }
0x5e: {  	_ =	shalt  }
0x5f: {  	_ =	shalt  }
0x60: {  	_ =	shalt  }
0x61: {  	_ =	shalt  }
0x62: {  	_ =	shalt  }
0x63: {  	_ =	shalt  }
0x64: {  	_ =	shalt  }
0x65: {  	_ =	shalt  }
0x66: {  	_ =	shalt  }
0x67: {  	_ =	shalt  }
0x68: {  	_ =	shalt  }
0x69: {  	_ =	shalt  }
0x6a: {  	_ =	shalt  }
0x6b: {  	_ =	shalt  }
0x6c: {  	_ =	shalt  }
0x6d: {  	_ =	shalt  }
0x6e: {  	_ =	shalt  }
0x6f: {  	_ =	shalt  }
0x70: {  	_ =	shalt  }
0x71: {  	_ =	shalt  }
0x72: {  	_ =	shalt  }
0x73: {  	_ =	shalt  }
0x74: {  	_ =	shalt  }
0x75: {  	_ =	shalt  }
0x76: {  	_ =	shalt  }
0x77: {  	_ =	shalt  }
0x78: {  	_ =	shalt  }
0x79: {  	_ =	shalt  }
0x7a: {  	_ =	shalt  }
0x7b: {  	_ =	shalt  }
0x7c: {  	_ =	shalt  }
0x7d: {  	_ =	shalt  }
0x7e: {  	_ =	shalt  }
0x7f: {  	_ =	shalt  }
0x80: {  	_ =	shalt  }
0x81: {  	_ =	shalt  }
0x82: {  	_ =	shalt  }
0x83: {  	_ =	shalt  }
0x84: {  	_ =	shalt  }
0x85: {  	_ =	shalt  }
0x86: {  	_ =	shalt  }
0x87: {  	_ =	shalt  }
.Lfunc_end0:
.L_simem_size_0:
called_computation_lowered:
.L_overlay_start_0:
0x88: {  	s2 =	sld [smem:$0x3FD9]  }
0x89: {  	s3 =	sld [smem:$0x3FFE];
	_ =	sdelay $0x1  }
0x8a: {  	s1 =	srdreg.scid  }
0x8b: {  	s0 =	sand.u32 $0x1, s1  }
0x8c: {  	s17 =	sshll.u32 s0, $0xA;
	s2 =	sadd.s32 s3, s2  }
0x8d: {  	s2 =	sadd.s32 s2, s17  }
0x8e: {  	[smem:$0x3FC4] =	sst s2  }
0x8f: {  	_ = 	snop  }
0x90: {  	s2 =	sld [smem:$0x3FD0];
	(tm) =	ssettm $0x1  }
0x91: {  	s18 =	sld [smem:$0x3FFB];
	_ =	sdelay $0x3  }
0x92: {  	_ =	strace s18  }
0x93: {  	s3 =	sld [smem:$0x3FFC];
	_ =	sdelay $0x3  }
0x94: {  	_ =	strace s3  }
0x95: {  	s3 =	sld [smem:$0x3FFD];
	_ =	sdelay $0x3  }
0x96: {  	_ =	strace s3  }
0x97: {  	_ =	strace $0x8FFFFFFF  }
0x98: {  	s19 =	sld [smem:$0x3FDB];
	_ =	sdelay $0x1  }
0x99: {  	s4 =	simm.s32 $_scs_section_size  }
0x9a: {  	s5 =	simm.s32 $_size__tile_overlayer_lowered;
	s6 =	simm.s32 $_tile_overlayer_lowered  }
0x9b: {  	s22 =	simm.s32 $0x1BFF;
	s21 =	sshll.u32 s6, $0x1;
	s3 =	sadd.s32 s4, s19  }
0x9c: {  	s7 =	simm.s32 $0x0;
	s20 =	sshll.u32 s5, $0x1;
	s5 =	sadd.s32 s21, s3  }
0x9d: {  	[timem:s7], [sflag:s22] =	dma.local [hbm:s5], s20  }
0x9e: {  	_ =	swait.ge [sflag:s22], s20  }
0x9f: {  	s4 =	ssub.s32 $0x0, s20;
	[sflag:s22] =	ssyncset.done $0x0  }
0xa0: {  	[sflag:s22] =	ssyncadd.s32 s4;
	_ =	sdelay $0x1  }
0xa1: {  	s23 =	simm.s32 $0x1B8B  }
0xa2: {  	_ =	swait.ge [sflag:s23], $0x1  }
0xa3: {  	[sflag:s23] =	ssyncset.done $0x0  }
0xa4: {  	s25 =	simm.s32 $0x1B8E;
	s24 =	sld [smem:$0x3FFE];
	[sflag:s23] =	ssyncadd.s32 $0xFFFFFFFF  }
0xa5: {  	s26 =	simm.s32 $execute0_lowered;
	[smem:$0x3FD2] =	sst s25  }
0xa6: {  	s5 =	sshll.u32 s26, $0x1;
	_ =	strace $0x80000046;
	[dreg:$0x1] =	wrdreg $0xFFFFFFFF  }
0xa7: {  	s28 =	simm.s32 $_size_execute0_lowered;
	s3 =	sadd.s32 s3, s5;
	[dreg:$0x0] =	wrdreg $0x0  }
0xa8: {  	s5 =	sshll.u32 s28, $0x1;
	[dreg:$0x2] =	wrdreg s3  }
0xa9: {  	[dreg:$0x3] =	wrdreg s5  }
0xaa: {  	[dreg:$0x4] =	wrdreg $0xC0  }
0xab: {  	_ =	task [dreg:s7], $0x5FFFF  }
0xac: {  	[dreg:$0x1] =	wrdreg $0xFFFFFFFF  }
0xad: {  	[dreg:$0x0] =	wrdreg $0x60  }
0xae: {  	[dreg:$0x2] =	wrdreg s2  }
0xaf: {  	[dreg:$0x3] =	wrdreg s24  }
0xb0: {  	[dreg:$0x4] =	wrdreg $0x0  }
0xb1: {  	[dreg:$0x5] =	wrdreg $0x9  }
0xb2: {  	_ =	task.clear_ibuf [dreg:s7], $0x6FFFF;
	_ =	strace $0x90000046  }
0xb3: {  	s29 =	simm.s32 $0x9;
	_ =	strace $0x80000048  }
0xb4: {  	_ =	swait.ge [sflag:s29], $0x1  }
0xb5: {  	[sflag:s29] =	ssyncadd.s32 $0xFFFFFFFF  }
0xb6: {  	_ =	strace $0x90000048  }
0xb7: {  	_ =	sfence  }
0xb8: {  	s30 =	sld [smem:$0x0];
	_ =	sdelay $0x2  }
0xb9: {  	s31 =	sshll.u32 s1, $0xD;
	s1 =	sshrl.u32 s1, $0x2  }
0xba: {  	s3 =	sand.u32 $0x4000, s31;
	s1 =	sadd.s32 s1, s30  }
0xbb: {  	s0 =	sor.u32 s3, s0;
	s1 =	sshll.u32 s1, $0x11  }
0xbc: {  	s0 =	sor.u32 s1, s0  }
0xbd: {  	s0 =	sadd.s32 $0x8F2B, s0  }
0xbe: {  	[sflag:s0] =	ssyncadd.remote.s32 $0x1  }
0xbf: {  	_ =	sfence.sel $0xFFFF  }
0xc0: {  	[dreg:$0x0] =	wrdreg $0xFFFFFFFF;
	(pc) =	sbr.abs _section_cstart, $3  }
0xc1: {  	[dreg:$0x1] =	wrdreg $0xFFFFFFFF  }
0xc2: {  	_ =	task.clear_ibuf [dreg:s7], $0x2FFFF;
	_ =	strace $0x9FFFFFFF  }
0xc3: {  	(tm) =	ssettm $0x7FFFFFFF  }
tec
execute0_lowered:
.L_overlay_start_1:
0x0: {  	(tag) =	ssettag $0x1  }
0x1: {  	s4 =	rddreg [dreg:$0x0]  }
0x2: {  	s3 =	rddreg [dreg:$0x1]  }
0x3: {  	s6 =	rddreg [dreg:$0x2]  }
0x4: {  	s0 =	rddreg [dreg:$0x3];
	s1 =	simm.s32 $0x0;
	s15 =	stileid.u32  }
0x5: {  	s2 =	srdreg.scid;
	s12 =	simm.s32 $0x2800;
	s13 =	simm.s32 $0x7680  }
0x6: {  	s14 =	simm.s32 $0x9E80;
	s16 =	simm.s32 $0x400;
	s17 =	simm.s32 $0x1400  }
0x7: {  	s18 =	simm.s32 $0x14000;
	s19 =	simm.s32 $0xC680;
	s5 =	smul.u32 $0x50, s15  }
0x8: {  	[smem:$0x7FF] =	sst s1;
	s20 =	sand.u32 $0x1, s2;
	s2 =	smul.u32 $0x4E20, s15  }
0x9: {  	s28 =	sshrl.u32 s15, $0x3;
	s30 =	sshll.u32 s15, $0x7;
	s11 =	smul.u32 $0x5000, s15  }
0xa: {  	p0 =	sne.s32 s15, $0x0;
	p1 =	sne.s32 s15, $0xF;
	s15 =	simm.s32 $0x80  }
0xb: {  	_ =	strace $0x80000047;
	s26 =	ssub.s32 $0x2, s20;
	p2 =	sne.s32 s20, $0x0  }
0xc: {  	s20 =	simm.s32 $0x0;
	s8 =	sadd.s32 s5, s3;
	s7 =	sshrl.u32 s26, $0x1  }
0xd: {  	s9 =	sshrl.u32 s2, $0x3;
	s5 =	smul.u32 $0x50000, s28;
	s29 =	sadd.s32 $0xFFFFFFF0, s2  }
0xe: {  	s31 =	sshrl.u32 s11, $0x2;
	s11 =	simm.s32 $0x1;
	s10 =	ssub.s32 s26, s7  }
0xf: {  	s3 =	sadd.s32 s4, s9;
	s7 =	sshrl.u32 s29, $0x3;
	s9 =	sand.u32 $0x380, s30  }
0x10: {  	s5 =	sshrl.u32 s5, $0x2;
	s4 =	sadd.s32 s4, s7;
	s7 =	sadd.s32 $0xB800, s8  }
0x11: {  	s8 =	sadd.s32 $0xB200, s8;
	s5 =	sadd.s32 s5, s6;
	s6 =	sadd.s32 s31, s6  }
0x12: {  	v0 =	vimm.s32 $0xFFFFFFFF;
	v1 =	vlaneseq.u32;
	vm0 =	vcmask @!p1 $0x3F3C;
	s5 =	sadd.s32 s9, s5;
	s9 =	smax.u32 s10, $0x1;
	s10 =	simm.s32 $0x2810  }
.LBB2_1:
0x13: {  	[tilespmem:s10], [sflag:$0x1] =	stream.linear.gather [hbm4b:s3+s1], $0x4E20, $0x38;
	[tilespmem:$0xF380] =	vst v63  }
0x14: {  	_ =	swait.ge [sflag:s11], $0x4E20  }
0x15: {  	[sflag:s11] =	ssyncset.done $0x0  }
0x16: {  	s21 =	simm.s32 @p0 $0x0;
	s22 =	simm.s32 @p0 $0x2800;
	[sflag:s11] =	ssyncadd.s32 $0xFFFFB1E0  }
0x17: {  	[tilespmem:s22], [sflag:$0x1] =	stream.linear.gather @p0 [hbm4b:s4+s21], $0x10, $0x38;
	[tilespmem:$0xF380] =	vst v63  }
0x18: {  	s21 =	simm.s32 @p0 $0x1  }
0x19: {  	_ =	swait.ge @p0 [sflag:s21], $0x10  }
0x1a: {  	[sflag:s21] =	ssyncset.done @p0 $0x0  }
0x1b: {  	v2 =	vimm.s32 @!p0 $0xFFFFFFFF;
	[sflag:s21] =	ssyncadd.s32 @p0 $0xFFFFFFF0  }
0x1c: {  	s21 =	simm.s32 $0x0;
	[tilespmem:$0x2800] =	vst @!p0 v2  }
.LBB2_2:
0x1d: {  	p3 =	sne.s32 s21, $0x9FC0  }
.Ltmp0:
0x1e: {  	_ = 	snop;
	(pc) =	sbr.rel @p3 .LBB2_2-.Ltmp0, $4  }
0x1f: {  	_ = 	snop  }
0x20: {  	s22 =	sshra.s32 s21, $0x2  }
0x21: {  	[tilespmem:s22+$0x7680] =	vst v0  }
0x22: {  	s21 =	sadd.s32 $0x40, s21;
	[tilespmem:s22+$0x9E80] =	vst v0  }
0x23: {  	s21 =	simm.s32 $0xF  }
0x24: {  	v2 =	vadd.s32 s21, v1;
	_ =	sdelay $0x2  }
0x25: {  	s22 =	simm.s32 $0x2810  }
0x26: {  	v3 =	vld [tilespmem:s22+$0x0]  }
0x27: {  	v2 =	vld.idx.msk [tilespmem:v2+s12+$0x0], $0xffff;
	_ =	sdelay $0x4  }
0x28: {  	vm1 =	vne.s32 v3, v2;
	vm2 =	vgt.s32 v2, $0xFFFFFFFF  }
0x29: {  	vm2 =	vmand vm1, vm2  }
0x2a: {  	s21 =	simm.s32 $0x1F  }
0x2b: {  	s23 =	simm.s32 $0x2F;
	s24 =	sadd.s32 $0xF, s2;
	v4 =	vadd.s32 s21, v1  }
.LBB2_4:
0x2c: {  	p3 =	sne.s32 s23, $0x4E1F;
	s24 =	sadd.s32 $0xFFFFFFF1, s24  }
0x2d: {  	v5 =	vor.u32 s24, v1  }
0x2e: {  	[tilespmem:v3+s13+$0x0] =	vst.idx.msk vm1, v5  }
0x2f: {  	[tilespmem:v2+s14+$0x0] =	vst.idx.msk vm2, v5  }
0x30: {  	s22 =	sadd.s32 $0x10, s22;
	v2 =	vld.idx.msk [tilespmem:v4+s12+$0x0], $0xffff  }
0x31: {  	v3 =	vld [tilespmem:s22+$0x0];
	_ =	sdelay $0x3  }
.Ltmp1:
0x32: {  	(pc) =	sbr.rel @p3 .LBB2_4-.Ltmp1, $3  }
0x33: {  	vm2 =	vgt.s32 v2, $0xFFFFFFFF;
	vm1 =	vne.s32 v3, v2  }
0x34: {  	vm2 =	vmand vm1, vm2;
	_ =	sdelay $0x1  }
0x35: {  	s24 =	sadd.s32 s21, s2;
	s21 =	smov.u32 s23;
	v4 =	vadd.s32 s23, v1;
	s23 =	sadd.s32 $0x10, s23  }
0x36: {  	_ =	sdelay $0x2  }
0x37: {  	s23 =	sadd.s32 $0xFFFFFFF1, s24  }
0x38: {  	v5 =	vor.u32 s23, v1  }
0x39: {  	[tilespmem:v3+s13+$0x0] =	vst.idx.msk vm1, v5  }
0x3a: {  	[tilespmem:v2+s14+$0x0] =	vst.idx.msk vm2, v5  }
0x3b: {  	s22 =	sadd.s32 $0x10, s22;
	v2 =	vld.idx.msk [tilespmem:v4+s12+$0x0], $0xffff  }
0x3c: {  	v3 =	vld [tilespmem:s22+$0x0];
	_ =	sdelay $0x4  }
0x3d: {  	vm1 =	vne.s32 v3, v2;
	vm2 =	vgt.s32 v2, $0xFFFFFFFF  }
0x3e: {  	vm2 =	vmand vm1, vm2;
	_ =	sdelay $0x1  }
0x3f: {  	s21 =	sadd.s32 s21, s2  }
0x40: {  	s21 =	sadd.s32 $0xFFFFFFF1, s21  }
0x41: {  	v53 =	vor.u32 s21, v1  }
0x42: {  	[tilespmem:v3+s13+$0x0] =	vst.idx.msk vm1, v53  }
0x43: {  	[tilespmem:v2+s14+$0x0] =	vst.idx.msk vm2, v53  }
0x44: {  	v2 =	vld @!p1 [tilespmem:$0x7620];
	_ =	sdelay $0x6  }
0x45: {  	s21 =	simm.s32 @!p1 $0x9E80;
	v3 =	vimm.s32 @!p1 $0x4E200  }
0x46: {  	[tilespmem:v2+s21+$0x0] =	vst.idx.msk @!p1 vm0, v3  }
0x47: {  	[spmem:s5] =	stream.strided.scatter [tilespmem:s13], [sflag:$0x1], $0x2800, s16, s15, $0x38;
	[tilespmem:$0xF380] =	vst v63  }
0x48: {  	_ =	swait.ge [sflag:s11], $0x2800  }
0x49: {  	[sflag:s11] =	ssyncset.done $0x0  }
0x4a: {  	[sflag:s11] =	ssyncadd.s32 $0xFFFFD800  }
0x4b: {  	[bflag:$0x0] =	sbarrier.arrive $0xFFFF  }
0x4c: {  	[tilespmem:s19], [sflag:$0x1] =	stream.strided.gather [spmem:s6], $0x2800, s18, s17, $0x38;
	[tilespmem:$0xF380] =	vst v63  }
0x4d: {  	s28 =	simm.s32 $0x0;
	_ =	swait.ge [sflag:s11], $0x2800  }
0x4e: {  	s29 =	sand.u32 $0x70, s28;
	s21 =	sand.u32 $0x1C00, s28;
	[sflag:s11] =	ssyncset.done $0x0  }
0x4f: {  	s21 =	sor.u32 s29, s21;
	[sflag:s11] =	ssyncadd.s32 $0xFFFFD800  }
0x50: {  	v2 =	vld [tilespmem:s21+$0xC700]  }
0x51: {  	v3 =	vld [tilespmem:s21+$0xC680];
	_ =	sdelay $0x1  }
0x52: {  	v54 =	vld [tilespmem:s21+$0xC780];
	_ =	sdelay $0x1  }
0x53: {  	v55 =	vld [tilespmem:s21+$0xC800]  }
0x54: {  	vm1 =	vgt.s32 v3, v2  }
0x55: {  	v2 =	vsel vm1, v3, v2;
	v3 =	vld [tilespmem:s21+$0xC880]  }
0x56: {  	vm1 =	vgt.s32 v2, v54  }
0x57: {  	v56 =	vld [tilespmem:s21+$0xC900];
	v2 =	vsel vm1, v2, v54  }
0x58: {  	vm1 =	vgt.s32 v2, v55  }
0x59: {  	v57 =	vld [tilespmem:s21+$0xC980];
	v2 =	vsel vm1, v2, v55  }
0x5a: {  	vm1 =	vgt.s32 v2, v3  }
0x5b: {  	v2 =	vsel vm1, v2, v3;
	v3 =	vld [tilespmem:s21+$0xCA00]  }
0x5c: {  	vm1 =	vgt.s32 v2, v56  }
0x5d: {  	v58 =	vld [tilespmem:s21+$0xDA80];
	v2 =	vsel vm1, v2, v56  }
0x5e: {  	vm1 =	vgt.s32 v2, v57  }
0x5f: {  	v59 =	vld [tilespmem:s21+$0xDB00];
	v2 =	vsel vm1, v2, v57  }
0x60: {  	vm1 =	vgt.s32 v2, v3  }
0x61: {  	v2 =	vsel vm1, v2, v3;
	v3 =	vld [tilespmem:s21+$0xDB80]  }
0x62: {  	vm1 =	vgt.s32 v2, v58  }
0x63: {  	v60 =	vld [tilespmem:s21+$0xDC00];
	v2 =	vsel vm1, v2, v58  }
0x64: {  	vm1 =	vgt.s32 v2, v59  }
0x65: {  	v61 =	vld [tilespmem:s21+$0xDC80];
	v2 =	vsel vm1, v2, v59  }
0x66: {  	vm1 =	vgt.s32 v2, v3  }
0x67: {  	v2 =	vsel vm1, v2, v3;
	v3 =	vld [tilespmem:s21+$0xDD00]  }
0x68: {  	vm1 =	vgt.s32 v2, v60  }
0x69: {  	v62 =	vld [tilespmem:s21+$0xDD80];
	v2 =	vsel vm1, v2, v60  }
0x6a: {  	vm1 =	vgt.s32 v2, v61  }
0x6b: {  	v63 =	vld [tilespmem:s21+$0xDE00];
	v2 =	vsel vm1, v2, v61  }
0x6c: {  	vm1 =	vgt.s32 v2, v3  }
0x6d: {  	v2 =	vsel vm1, v2, v3  }
0x6e: {  	vm1 =	vgt.s32 v2, v62  }
0x6f: {  	v2 =	vsel vm1, v2, v62  }
0x70: {  	vm1 =	vgt.s32 v2, v63  }
0x71: {  	v2 =	vsel vm1, v2, v63  }
0x72: {  	s30 =	simm.s32 $0x10;
	s23 =	simm.s32 $0x80;
	v3 =	vshra.s32 v2, $0x1F  }
0x73: {  	s31 =	sand.u32 $0x1C00, s23;
	s22 =	sand.u32 $0x70, s30;
	s21 =	simm.s32 $0xEE80;
	v2 =	vor.u32 v3, v2  }
0x74: {  	s24 =	simm.s32 $0x20;
	s22 =	sor.u32 s22, s31;
	[tilespmem:s21+$0x0] =	vst v2  }
.LBB2_6:
0x75: {  	p3 =	sne.s32 s24, $0x270;
	v2 =	vld [tilespmem:s22+$0xC700]  }
0x76: {  	v3 =	vld [tilespmem:s22+$0xC680];
	_ =	sdelay $0x1  }
0x77: {  	v4 =	vld [tilespmem:s22+$0xC780];
	_ =	sdelay $0x1  }
0x78: {  	v5 =	vld [tilespmem:s22+$0xC800]  }
0x79: {  	vm1 =	vgt.s32 v3, v2  }
0x7a: {  	v2 =	vsel vm1, v3, v2;
	v3 =	vld [tilespmem:s22+$0xC880]  }
0x7b: {  	vm1 =	vgt.s32 v2, v4  }
0x7c: {  	v2 =	vsel vm1, v2, v4;
	v4 =	vld [tilespmem:s22+$0xC900]  }
0x7d: {  	vm1 =	vgt.s32 v2, v5  }
0x7e: {  	v2 =	vsel vm1, v2, v5;
	v5 =	vld [tilespmem:s22+$0xC980]  }
0x7f: {  	vm1 =	vgt.s32 v2, v3  }
0x80: {  	v2 =	vsel vm1, v2, v3;
	v3 =	vld [tilespmem:s22+$0xCA00]  }
0x81: {  	vm1 =	vgt.s32 v2, v4  }
0x82: {  	v2 =	vsel vm1, v2, v4;
	v4 =	vld [tilespmem:s22+$0xDA80]  }
0x83: {  	vm1 =	vgt.s32 v2, v5  }
0x84: {  	v2 =	vsel vm1, v2, v5;
	v5 =	vld [tilespmem:s22+$0xDB00]  }
0x85: {  	vm1 =	vgt.s32 v2, v3  }
0x86: {  	v2 =	vsel vm1, v2, v3;
	v3 =	vld [tilespmem:s22+$0xDB80]  }
0x87: {  	vm1 =	vgt.s32 v2, v4  }
0x88: {  	v2 =	vsel vm1, v2, v4;
	v4 =	vld [tilespmem:s22+$0xDC00]  }
0x89: {  	vm1 =	vgt.s32 v2, v5  }
0x8a: {  	v2 =	vsel vm1, v2, v5;
	v5 =	vld [tilespmem:s22+$0xDC80]  }
0x8b: {  	vm1 =	vgt.s32 v2, v3  }
0x8c: {  	v2 =	vsel vm1, v2, v3;
	v3 =	vld [tilespmem:s22+$0xDD00]  }
0x8d: {  	vm1 =	vgt.s32 v2, v4  }
0x8e: {  	v2 =	vsel vm1, v2, v4;
	v4 =	vld [tilespmem:s22+$0xDD80]  }
0x8f: {  	vm1 =	vgt.s32 v2, v5  }
0x90: {  	v2 =	vsel vm1, v2, v5;
	v5 =	vld [tilespmem:s22+$0xDE00]  }
0x91: {  	vm1 =	vgt.s32 v2, v3  }
0x92: {  	v2 =	vsel vm1, v2, v3  }
0x93: {  	vm1 =	vgt.s32 v2, v4  }
0x94: {  	v2 =	vsel vm1, v2, v4  }
.Ltmp2:
0x95: {  	vm1 =	vgt.s32 v2, v5;
	(pc) =	sbr.rel @p3 .LBB2_6-.Ltmp2, $4  }
0x96: {  	v2 =	vsel vm1, v2, v5  }
0x97: {  	s23 =	sadd.s32 $0x80, s23;
	v3 =	vshra.s32 v2, $0x1F  }
0x98: {  	s21 =	sadd.s32 $0x10, s21;
	s25 =	sand.u32 $0x1C00, s23;
	s22 =	sand.u32 $0x70, s24;
	v2 =	vor.u32 v3, v2  }
0x99: {  	s24 =	sadd.s32 $0x10, s24;
	s22 =	sor.u32 s22, s25;
	[tilespmem:s21+$0x0] =	vst v2  }
0x9a: {  	v2 =	vld [tilespmem:s22+$0xC700]  }
0x9b: {  	v3 =	vld [tilespmem:s22+$0xC680];
	_ =	sdelay $0x1  }
0x9c: {  	v4 =	vld [tilespmem:s22+$0xC780];
	_ =	sdelay $0x1  }
0x9d: {  	v5 =	vld [tilespmem:s22+$0xC800]  }
0x9e: {  	vm1 =	vgt.s32 v3, v2  }
0x9f: {  	v2 =	vsel vm1, v3, v2;
	v3 =	vld [tilespmem:s22+$0xC880]  }
0xa0: {  	vm1 =	vgt.s32 v2, v4  }
0xa1: {  	v45 =	vld [tilespmem:s22+$0xC900];
	v2 =	vsel vm1, v2, v4  }
0xa2: {  	vm1 =	vgt.s32 v2, v5  }
0xa3: {  	v46 =	vld [tilespmem:s22+$0xC980];
	v2 =	vsel vm1, v2, v5  }
0xa4: {  	vm1 =	vgt.s32 v2, v3  }
0xa5: {  	v2 =	vsel vm1, v2, v3;
	v3 =	vld [tilespmem:s22+$0xCA00]  }
0xa6: {  	vm1 =	vgt.s32 v2, v45  }
0xa7: {  	v47 =	vld [tilespmem:s22+$0xDA80];
	v2 =	vsel vm1, v2, v45  }
0xa8: {  	vm1 =	vgt.s32 v2, v46  }
0xa9: {  	v48 =	vld [tilespmem:s22+$0xDB00];
	v2 =	vsel vm1, v2, v46  }
0xaa: {  	vm1 =	vgt.s32 v2, v3  }
0xab: {  	v2 =	vsel vm1, v2, v3;
	v3 =	vld [tilespmem:s22+$0xDB80]  }
0xac: {  	vm1 =	vgt.s32 v2, v47  }
0xad: {  	v49 =	vld [tilespmem:s22+$0xDC00];
	v2 =	vsel vm1, v2, v47  }
0xae: {  	vm1 =	vgt.s32 v2, v48  }
0xaf: {  	v50 =	vld [tilespmem:s22+$0xDC80];
	v2 =	vsel vm1, v2, v48  }
0xb0: {  	vm1 =	vgt.s32 v2, v3  }
0xb1: {  	v2 =	vsel vm1, v2, v3;
	v3 =	vld [tilespmem:s22+$0xDD00]  }
0xb2: {  	vm1 =	vgt.s32 v2, v49  }
0xb3: {  	v51 =	vld [tilespmem:s22+$0xDD80];
	v2 =	vsel vm1, v2, v49  }
0xb4: {  	vm1 =	vgt.s32 v2, v50  }
0xb5: {  	v52 =	vld [tilespmem:s22+$0xDE00];
	v2 =	vsel vm1, v2, v50  }
0xb6: {  	vm1 =	vgt.s32 v2, v3  }
0xb7: {  	v2 =	vsel vm1, v2, v3  }
0xb8: {  	vm1 =	vgt.s32 v2, v51  }
0xb9: {  	v2 =	vsel vm1, v2, v51  }
0xba: {  	vm1 =	vgt.s32 v2, v52  }
0xbb: {  	v2 =	vsel vm1, v2, v52  }
0xbc: {  	v3 =	vshra.s32 v2, $0x1F  }
0xbd: {  	s21 =	sadd.s32 $0x10, s21;
	v2 =	vor.u32 v3, v2  }
0xbe: {  	[tilespmem:s21+$0x0] =	vst v2  }
0xbf: {  	[bflag:$0x0] =	sbarrier.arrive $0xFFFF  }
0xc0: {  	[spmem:s5] =	stream.strided.scatter [tilespmem:s14], [sflag:$0x1], $0x2800, s16, s15, $0x38;
	[tilespmem:$0xF380] =	vst v63  }
0xc1: {  	_ =	swait.ge [sflag:s11], $0x2800  }
0xc2: {  	[sflag:s11] =	ssyncset.done $0x0  }
0xc3: {  	[sflag:s11] =	ssyncadd.s32 $0xFFFFD800  }
0xc4: {  	[bflag:$0x0] =	sbarrier.arrive $0xFFFF  }
0xc5: {  	[tilespmem:s19], [sflag:$0x1] =	stream.strided.gather [spmem:s6], $0x2800, s18, s17, $0x38;
	[tilespmem:$0xF380] =	vst v63  }
0xc6: {  	s30 =	simm.s32 $0x0;
	_ =	swait.ge [sflag:s11], $0x2800  }
0xc7: {  	s31 =	sand.u32 $0x70, s30;
	s21 =	sand.u32 $0x1C00, s30;
	[sflag:s11] =	ssyncset.done $0x0  }
0xc8: {  	s21 =	sor.u32 s31, s21;
	[sflag:s11] =	ssyncadd.s32 $0xFFFFD800  }
0xc9: {  	v2 =	vld [tilespmem:s21+$0xC700]  }
0xca: {  	v3 =	vld [tilespmem:s21+$0xC680];
	_ =	sdelay $0x1  }
0xcb: {  	v53 =	vld [tilespmem:s21+$0xC780];
	_ =	sdelay $0x1  }
0xcc: {  	v54 =	vld [tilespmem:s21+$0xC800]  }
0xcd: {  	vm1 =	vgt.s32 v3, v2  }
0xce: {  	v2 =	vsel vm1, v3, v2;
	v3 =	vld [tilespmem:s21+$0xC880]  }
0xcf: {  	vm1 =	vgt.s32 v2, v53  }
0xd0: {  	v55 =	vld [tilespmem:s21+$0xC900];
	v2 =	vsel vm1, v2, v53  }
0xd1: {  	vm1 =	vgt.s32 v2, v54  }
0xd2: {  	v56 =	vld [tilespmem:s21+$0xC980];
	v2 =	vsel vm1, v2, v54  }
0xd3: {  	vm1 =	vgt.s32 v2, v3  }
0xd4: {  	v2 =	vsel vm1, v2, v3;
	v3 =	vld [tilespmem:s21+$0xCA00]  }
0xd5: {  	vm1 =	vgt.s32 v2, v55  }
0xd6: {  	v57 =	vld [tilespmem:s21+$0xDA80];
	v2 =	vsel vm1, v2, v55  }
0xd7: {  	vm1 =	vgt.s32 v2, v56  }
0xd8: {  	v58 =	vld [tilespmem:s21+$0xDB00];
	v2 =	vsel vm1, v2, v56  }
0xd9: {  	vm1 =	vgt.s32 v2, v3  }
0xda: {  	v2 =	vsel vm1, v2, v3;
	v3 =	vld [tilespmem:s21+$0xDB80]  }
0xdb: {  	vm1 =	vgt.s32 v2, v57  }
0xdc: {  	v59 =	vld [tilespmem:s21+$0xDC00];
	v2 =	vsel vm1, v2, v57  }
0xdd: {  	vm1 =	vgt.s32 v2, v58  }
0xde: {  	v60 =	vld [tilespmem:s21+$0xDC80];
	v2 =	vsel vm1, v2, v58  }
0xdf: {  	vm1 =	vgt.s32 v2, v3  }
0xe0: {  	v2 =	vsel vm1, v2, v3;
	v3 =	vld [tilespmem:s21+$0xDD00]  }
0xe1: {  	vm1 =	vgt.s32 v2, v59  }
0xe2: {  	v61 =	vld [tilespmem:s21+$0xDD80];
	v2 =	vsel vm1, v2, v59  }
0xe3: {  	vm1 =	vgt.s32 v2, v60  }
0xe4: {  	v62 =	vld [tilespmem:s21+$0xDE00];
	v2 =	vsel vm1, v2, v60  }
0xe5: {  	vm1 =	vgt.s32 v2, v3  }
0xe6: {  	v2 =	vsel vm1, v2, v3  }
0xe7: {  	s21 =	simm.s32 $0xEE80;
	vm1 =	vgt.s32 v2, v61  }
0xe8: {  	v3 =	vld [tilespmem:s21+$0x0];
	v2 =	vsel vm1, v2, v61  }
0xe9: {  	vm1 =	vgt.s32 v2, v62  }
0xea: {  	v2 =	vsel vm1, v2, v62  }
0xeb: {  	v63 =	vshra.s32 v2, $0x1F  }
0xec: {  	v2 =	vor.u32 v63, v2  }
0xed: {  	v2 =	vsub.s32 v2, v3  }
0xee: {  	v2 =	vadd.s32 $0x1, v2  }
0xef: {  	v2 =	vshra.s32 v2, $0x1  }
0xf0: {  	s23 =	simm.s32 $0x10;
	s24 =	simm.s32 $0x80;
	v3 =	vadd.s32 v3, v2;
	v2 =	vcvt.s32.f32 v2  }
0xf1: {  	s23 =	sand.u32 $0x70, s23;
	s25 =	sand.u32 $0x1C00, s24;
	s22 =	simm.s32 $0xF100;
	[tilespmem:s21+$0x0] =	vst v3  }
0xf2: {  	s23 =	sor.u32 s23, s25;
	s25 =	simm.s32 $0x20;
	[tilespmem:s22+$0x0] =	vst v2  }
.LBB2_8:
0xf3: {  	p3 =	sne.s32 s25, $0x270;
	v2 =	vld [tilespmem:s23+$0xC700]  }
0xf4: {  	v3 =	vld [tilespmem:s23+$0xC680];
	_ =	sdelay $0x1  }
0xf5: {  	v4 =	vld [tilespmem:s23+$0xC780];
	_ =	sdelay $0x1  }
0xf6: {  	v5 =	vld [tilespmem:s23+$0xC800]  }
0xf7: {  	vm1 =	vgt.s32 v3, v2  }
0xf8: {  	v2 =	vsel vm1, v3, v2;
	v3 =	vld [tilespmem:s23+$0xC880]  }
0xf9: {  	vm1 =	vgt.s32 v2, v4  }
0xfa: {  	v2 =	vsel vm1, v2, v4;
	v4 =	vld [tilespmem:s23+$0xC900]  }
0xfb: {  	vm1 =	vgt.s32 v2, v5  }
0xfc: {  	v2 =	vsel vm1, v2, v5;
	v5 =	vld [tilespmem:s23+$0xC980]  }
0xfd: {  	vm1 =	vgt.s32 v2, v3  }
0xfe: {  	v2 =	vsel vm1, v2, v3;
	v3 =	vld [tilespmem:s23+$0xCA00]  }
0xff: {  	vm1 =	vgt.s32 v2, v4  }
0x100: {  	v2 =	vsel vm1, v2, v4;
	v4 =	vld [tilespmem:s23+$0xDA80]  }
0x101: {  	vm1 =	vgt.s32 v2, v5  }
0x102: {  	v2 =	vsel vm1, v2, v5;
	v5 =	vld [tilespmem:s23+$0xDB00]  }
0x103: {  	vm1 =	vgt.s32 v2, v3  }
0x104: {  	v2 =	vsel vm1, v2, v3;
	v3 =	vld [tilespmem:s23+$0xDB80]  }
0x105: {  	vm1 =	vgt.s32 v2, v4  }
0x106: {  	v2 =	vsel vm1, v2, v4;
	v4 =	vld [tilespmem:s23+$0xDC00]  }
0x107: {  	vm1 =	vgt.s32 v2, v5  }
0x108: {  	v2 =	vsel vm1, v2, v5;
	v5 =	vld [tilespmem:s23+$0xDC80]  }
0x109: {  	vm1 =	vgt.s32 v2, v3  }
0x10a: {  	v2 =	vsel vm1, v2, v3;
	v3 =	vld [tilespmem:s23+$0xDD00]  }
0x10b: {  	vm1 =	vgt.s32 v2, v4  }
0x10c: {  	v2 =	vsel vm1, v2, v4;
	v4 =	vld [tilespmem:s23+$0xDD80]  }
0x10d: {  	vm1 =	vgt.s32 v2, v5  }
0x10e: {  	v2 =	vsel vm1, v2, v5;
	v5 =	vld [tilespmem:s23+$0xDE00]  }
0x10f: {  	vm1 =	vgt.s32 v2, v3  }
0x110: {  	v2 =	vsel vm1, v2, v3  }
0x111: {  	s21 =	sadd.s32 $0x10, s21;
	vm1 =	vgt.s32 v2, v4  }
0x112: {  	v2 =	vsel vm1, v2, v4;
	v3 =	vld [tilespmem:s21+$0x0]  }
0x113: {  	vm1 =	vgt.s32 v2, v5  }
0x114: {  	v2 =	vsel vm1, v2, v5  }
0x115: {  	v4 =	vshra.s32 v2, $0x1F  }
0x116: {  	v2 =	vor.u32 v4, v2  }
0x117: {  	v2 =	vsub.s32 v2, v3  }
.Ltmp3:
0x118: {  	v2 =	vadd.s32 $0x1, v2;
	(pc) =	sbr.rel @p3 .LBB2_8-.Ltmp3, $4  }
0x119: {  	v2 =	vshra.s32 v2, $0x1  }
0x11a: {  	s24 =	sadd.s32 $0x80, s24;
	v3 =	vadd.s32 v3, v2;
	v2 =	vcvt.s32.f32 v2  }
0x11b: {  	s22 =	sadd.s32 $0x10, s22;
	s26 =	sand.u32 $0x1C00, s24;
	s23 =	sand.u32 $0x70, s25;
	[tilespmem:s21+$0x0] =	vst v3  }
0x11c: {  	s25 =	sadd.s32 $0x10, s25;
	s23 =	sor.u32 s23, s26;
	[tilespmem:s22+$0x0] =	vst v2  }
0x11d: {  	v2 =	vld [tilespmem:s23+$0xC700]  }
0x11e: {  	v3 =	vld [tilespmem:s23+$0xC680];
	_ =	sdelay $0x1  }
0x11f: {  	v4 =	vld [tilespmem:s23+$0xC780];
	_ =	sdelay $0x1  }
0x120: {  	v5 =	vld [tilespmem:s23+$0xC800]  }
0x121: {  	vm1 =	vgt.s32 v3, v2  }
0x122: {  	v2 =	vsel vm1, v3, v2;
	v3 =	vld [tilespmem:s23+$0xC880]  }
0x123: {  	vm1 =	vgt.s32 v2, v4  }
0x124: {  	v55 =	vld [tilespmem:s23+$0xC900];
	v2 =	vsel vm1, v2, v4  }
0x125: {  	vm1 =	vgt.s32 v2, v5  }
0x126: {  	v56 =	vld [tilespmem:s23+$0xC980];
	v2 =	vsel vm1, v2, v5  }
0x127: {  	vm1 =	vgt.s32 v2, v3  }
0x128: {  	v2 =	vsel vm1, v2, v3;
	v3 =	vld [tilespmem:s23+$0xCA00]  }
0x129: {  	vm1 =	vgt.s32 v2, v55  }
0x12a: {  	v57 =	vld [tilespmem:s23+$0xDA80];
	v2 =	vsel vm1, v2, v55  }
0x12b: {  	vm1 =	vgt.s32 v2, v56  }
0x12c: {  	v58 =	vld [tilespmem:s23+$0xDB00];
	v2 =	vsel vm1, v2, v56  }
0x12d: {  	vm1 =	vgt.s32 v2, v3  }
0x12e: {  	v2 =	vsel vm1, v2, v3;
	v3 =	vld [tilespmem:s23+$0xDB80]  }
0x12f: {  	vm1 =	vgt.s32 v2, v57  }
0x130: {  	v59 =	vld [tilespmem:s23+$0xDC00];
	v2 =	vsel vm1, v2, v57  }
0x131: {  	vm1 =	vgt.s32 v2, v58  }
0x132: {  	v60 =	vld [tilespmem:s23+$0xDC80];
	v2 =	vsel vm1, v2, v58  }
0x133: {  	vm1 =	vgt.s32 v2, v3  }
0x134: {  	v2 =	vsel vm1, v2, v3;
	v3 =	vld [tilespmem:s23+$0xDD00]  }
0x135: {  	vm1 =	vgt.s32 v2, v59  }
0x136: {  	v61 =	vld [tilespmem:s23+$0xDD80];
	v2 =	vsel vm1, v2, v59  }
0x137: {  	vm1 =	vgt.s32 v2, v60  }
0x138: {  	v62 =	vld [tilespmem:s23+$0xDE00];
	v2 =	vsel vm1, v2, v60  }
0x139: {  	vm1 =	vgt.s32 v2, v3  }
0x13a: {  	v2 =	vsel vm1, v2, v3  }
0x13b: {  	s21 =	sadd.s32 $0x10, s21;
	vm1 =	vgt.s32 v2, v61  }
0x13c: {  	v3 =	vld [tilespmem:s21+$0x0];
	v2 =	vsel vm1, v2, v61  }
0x13d: {  	vm1 =	vgt.s32 v2, v62  }
0x13e: {  	v2 =	vsel vm1, v2, v62  }
0x13f: {  	v63 =	vshra.s32 v2, $0x1F  }
0x140: {  	v2 =	vor.u32 v63, v2  }
0x141: {  	v2 =	vsub.s32 v2, v3  }
0x142: {  	v2 =	vadd.s32 $0x1, v2  }
0x143: {  	v2 =	vshra.s32 v2, $0x1  }
0x144: {  	v3 =	vadd.s32 v3, v2;
	v2 =	vcvt.s32.f32 v2  }
0x145: {  	s31 =	sadd.s32 $0x10, s22;
	[tilespmem:s21+$0x0] =	vst v3  }
0x146: {  	s22 =	simm.s32 @!p2 $0xEE80;
	s21 =	simm.s32 @!p2 $0x0;
	[tilespmem:s31+$0x0] =	vst v2  }
0x147: {  	[hbm4b:s7+s21] =	stream.linear.scatter @!p2 [tilespmem:s22], [sflag:$0x1], $0x280, $0x38;
	[tilespmem:$0xF380] =	vst v63  }
0x148: {  	s22 =	simm.s32 @!p2 $0x1  }
0x149: {  	s20 =	sadd.s32 $0x1, s20;
	_ =	swait.ge @!p2 [sflag:s22], $0x280  }
0x14a: {  	p3 =	sne.s32 s20, s9;
	[sflag:s22] =	ssyncset.done @!p2 $0x0  }
.Ltmp4:
0x14b: {  	s23 =	simm.s32 @!p2 $0xF100;
	[sflag:s22] =	ssyncadd.s32 @!p2 $0xFFFFFD80;
	(pc) =	sbr.rel @p3 .LBB2_1-.Ltmp4, $4  }
0x14c: {  	[hbm4b:s8+s21] =	stream.linear.scatter @!p2 [tilespmem:s23], [sflag:$0x1], $0x280, $0x38;
	[tilespmem:$0xF380] =	vst v63  }
0x14d: {  	_ =	swait.ge @!p2 [sflag:s22], $0x280  }
0x14e: {  	[sflag:s22] =	ssyncset.done @!p2 $0x0  }
0x14f: {  	[sflag:s22] =	ssyncadd.s32 @!p2 $0xFFFFFD80  }
0x150: {  	_ =	sfence.sel $0x180000  }
0x151: {  	[bflag:$0x0] =	sbarrier.arrive $0xFFFF  }
0x152: {  	_ =	strace $0x90000047  }
0x153: {  	s0 =	sadd.s32 @!p0 $0x100000, s0;
	[bflag:$0x2] =	sbarrier.arrive $0xFFFF  }
0x154: {  	[sflag:s0] =	ssyncadd.tile.s32 @!p0 $0x1;
	_ =	shalt  }
.Lfunc_end2:
_tile_overlayer_lowered:
.L_overlay_start_2:
0x155: {  	(tag) =	ssettag $0x2  }
0x156: {  	s0 =	rddreg [dreg:$0x0];
	s2 =	stileid.u32  }
0x157: {  	s1 =	rddreg [dreg:$0x1];
	p0 =	sne.s32 s2, $0x0  }
0x158: {  	s3 =	rddreg [dreg:$0x2];
	[bflag:$0x3] =	sbarrier.arrive $0xFFFF;
	s2 =	simm.s32 @!p0 $0x1C01  }
0x159: {  	[timem:s3], [sflag:s2] =	dma.local @!p0 [hbm:s0], s1  }
0x15a: {  	s0 =	simm.s32 @!p0 $0x1  }
0x15b: {  	_ =	swait.ge @!p0 [sflag:s0], s1  }
0x15c: {  	s1 =	ssub.s32 @!p0 $0x0, s1;
	[sflag:s0] =	ssyncset.done @!p0 $0x0  }
0x15d: {  	[sflag:s0] =	ssyncadd.s32 @!p0 s1  }
0x15e: {  	[bflag:$0x3] =	sbarrier.arrive $0xFFFF  }
0x15f: {  	_ =	shalt  }

// kernel: kernel.8.cloned.1.call-start
scs
__scs_entry_jumppad:
0x0: {  	(pc) =	sbr.rel $0x88, $3  }
0x1: {  	(tag) =	ssettag $0x0;
	lr =	simm.s32 $0x1  }
0x2: {  	[smem:$0x3F9D] =	sst lr;
	_ =	strace $0xD0000000  }
0x3: {  	_ = 	snop  }
0x4: {  	_ = 	snop  }
0x5: {  	_ = 	snop  }
0x6: {  	_ = 	snop  }
0x7: {  	_ = 	snop  }
__scs_overlays_trampoline_lowered:
0x8: {  	[smem:$0x3FAC] =	sst s0  }
0x9: {  	[smem:$0x3FAD] =	sst s1  }
0xa: {  	[smem:$0x3FAE] =	sst s2  }
0xb: {  	[smem:$0x3FAF] =	sst s3  }
0xc: {  	[smem:$0x3FB0] =	sst s4  }
0xd: {  	[smem:$0x3FB1] =	sst s5  }
0xe: {  	[smem:$0x3FB2] =	sst s6  }
0xf: {  	[smem:$0x3FB3] =	sst s7  }
0x10: {  	[smem:$0x3FB4] =	sst s8  }
0x11: {  	[smem:$0x3FB5] =	sst s9;
	s0 =	simm.s32 @!p0 $0x0  }
0x12: {  	s1 =	sld [smem:$0x3F9B];
	s0 =	simm.s32 @p0 $0x1  }
0x13: {  	[smem:$0x3FB6] =	sst s0;
	s0 =	simm.s32 @!p1 $0x0  }
0x14: {  	s2 =	sld [smem:$0x3F9A];
	s0 =	simm.s32 @p1 $0x1  }
0x15: {  	[smem:$0x3FB7] =	sst s0;
	s0 =	simm.s32 @!p2 $0x0  }
0x16: {  	s3 =	sld [smem:$0x3FDB];
	s0 =	simm.s32 @p2 $0x1  }
0x17: {  	s4 =	simm.s32 $0x1BF5;
	[smem:$0x3FB9] =	sst s0  }
0x18: {  	s0 =	sld [smem:$0x3F9C];
	_ =	swait.ge [sflag:s4], $0x0  }
0x19: {  	s7 =	sld [smem:$0x3F9D]  }
0x1a: {  	s8 =	sadd.s32 $0xFFFFE003, lr  }
0x1b: {  	s9 =	sadd.s32 $0xFFFFFEF7, lr;
	s5 =	simm.s32 $0xFFFFFFFF;
	p2 =	slt.u32 s8, $0xFFFFF086  }
0x1c: {  	p1 =	slt.u32 s9, $0xF7A;
	s5 =	simm.s32 @!p2 $0x0  }
0x1d: {  	s5 =	simm.s32 @p1 $0x1;
	p0 =	seq.s32 s7, s2  }
0x1e: {  	s7 =	smul.u32 @!p0 $0xF7A, s2;
	p2 =	seq.s32 @!p0 s5, $0x0  }
0x1f: {  	s9 =	smul.u32 $0xF7A, s1;
	s8 =	simm.s32 @!p0 $0x1BF5;
	p2 =	por !p2, p0  }
0x20: {  	[sflag:s8] =	ssyncset.s32 @!p0 $0xFFFFF086;
	s6 =	sadd.s32 @!p0 s3, s7;
	s7 =	simm.s32 @!p0 $0x108  }
0x21: {  	s3 =	sadd.s32 s3, s9;
	s6 =	sadd.s32 @!p0 $0x88, s6;
	s7 =	simm.s32 @p2 $0x1082  }
0x22: {  	[simem:s7], [sflag:s8] =	dma.local @!p0 [hbm:s6], $0xF7A  }
0x23: {  	s9 =	sor.u32 $0xD0000000, s2;
	s6 =	simm.s32 $0x108;
	_ =	swait.ge @!p0 [sflag:s8], $0x0  }
0x24: {  	s3 =	sadd.s32 $0x88, s3;
	s6 =	simm.s32 @!p1 $0x1082;
	[sflag:s4] =	ssyncset.s32 $0xFFFFF086  }
0x25: {  	[simem:s6], [sflag:s4] =	dma.local [hbm:s3], $0xF7A  }
0x26: {  	[smem:$0x3F9D] =	sst s1;
	(tag) =	ssettag s2;
	_ =	strace s9  }
0x27: {  	s1 =	sld [smem:$0x3FAD]  }
0x28: {  	s2 =	sld [smem:$0x3FAE]  }
0x29: {  	s4 =	sld [smem:$0x3FB0]  }
0x2a: {  	p0 =	seq.s32 s5, $0x0;
	s5 =	sld [smem:$0x3FB1]  }
0x2b: {  	s6 =	sld [smem:$0x3FB2]  }
0x2c: {  	s7 =	sld [smem:$0x3FB3]  }
0x2d: {  	s3 =	simm.s32 $0x108;
	s8 =	sld [smem:$0x3FB4]  }
0x2e: {  	s3 =	simm.s32 @!p0 $0x1082;
	s9 =	sld [smem:$0x3FB5]  }
0x2f: {  	lr =	sadd.s32 s0, s3;
	s0 =	sld [smem:$0x3FAC]  }
0x30: {  	s3 =	sld [smem:$0x3FAF]  }
0x31: {  	[smem:$0x3FB8] =	sst s10  }
0x32: {  	s10 =	sld [smem:$0x3FB6];
	_ =	sdelay $0x3  }
0x33: {  	p0 =	seq.s32 s10, $0x1;
	s10 =	sld [smem:$0x3FB8];
	_ =	sdelay $0x3  }
0x34: {  	[smem:$0x3FB8] =	sst s10  }
0x35: {  	s10 =	sld [smem:$0x3FB7];
	_ =	sdelay $0x3  }
0x36: {  	p1 =	seq.s32 s10, $0x1;
	s10 =	sld [smem:$0x3FB8];
	_ =	sdelay $0x3  }
0x37: {  	[smem:$0x3FB8] =	sst s10  }
0x38: {  	s10 =	sld [smem:$0x3FB9]  }
0x39: {  	_ = 	snop;
	(pc) =	sbr.ind lr, $3  }
0x3a: {  	_ = 	snop  }
0x3b: {  	_ = 	snop  }
0x3c: {  	p2 =	seq.s32 s10, $0x1;
	s10 =	sld [smem:$0x3FB8]  }
0x3d: {  	_ =	shalt  }
0x3e: {  	_ =	shalt  }
0x3f: {  	_ =	shalt  }
0x40: {  	_ =	shalt  }
0x41: {  	_ =	shalt  }
0x42: {  	_ =	shalt  }
0x43: {  	_ =	shalt  }
0x44: {  	_ =	shalt  }
0x45: {  	_ =	shalt  }
0x46: {  	_ =	shalt  }
0x47: {  	_ =	shalt  }
0x48: {  	_ =	shalt  }
0x49: {  	_ =	shalt  }
0x4a: {  	_ =	shalt  }
0x4b: {  	_ =	shalt  }
0x4c: {  	_ =	shalt  }
0x4d: {  	_ =	shalt  }
0x4e: {  	_ =	shalt  }
0x4f: {  	_ =	shalt  }
0x50: {  	_ =	shalt  }
0x51: {  	_ =	shalt  }
0x52: {  	_ =	shalt  }
0x53: {  	_ =	shalt  }
0x54: {  	_ =	shalt  }
0x55: {  	_ =	shalt  }
0x56: {  	_ =	shalt  }
0x57: {  	_ =	shalt  }
0x58: {  	_ =	shalt  }
0x59: {  	_ =	shalt  }
0x5a: {  	_ =	shalt  }
0x5b: {  	_ =	shalt  }
0x5c: {  	_ =	shalt  }
0x5d: {  	_ =	shalt  }
0x5e: {  	_ =	shalt  }
0x5f: {  	_ =	shalt  }
0x60: {  	_ =	shalt  }
0x61: {  	_ =	shalt  }
0x62: {  	_ =	shalt  }
0x63: {  	_ =	shalt  }
0x64: {  	_ =	shalt  }
0x65: {  	_ =	shalt  }
0x66: {  	_ =	shalt  }
0x67: {  	_ =	shalt  }
0x68: {  	_ =	shalt  }
0x69: {  	_ =	shalt  }
0x6a: {  	_ =	shalt  }
0x6b: {  	_ =	shalt  }
0x6c: {  	_ =	shalt  }
0x6d: {  	_ =	shalt  }
0x6e: {  	_ =	shalt  }
0x6f: {  	_ =	shalt  }
0x70: {  	_ =	shalt  }
0x71: {  	_ =	shalt  }
0x72: {  	_ =	shalt  }
0x73: {  	_ =	shalt  }
0x74: {  	_ =	shalt  }
0x75: {  	_ =	shalt  }
0x76: {  	_ =	shalt  }
0x77: {  	_ =	shalt  }
0x78: {  	_ =	shalt  }
0x79: {  	_ =	shalt  }
0x7a: {  	_ =	shalt  }
0x7b: {  	_ =	shalt  }
0x7c: {  	_ =	shalt  }
0x7d: {  	_ =	shalt  }
0x7e: {  	_ =	shalt  }
0x7f: {  	_ =	shalt  }
0x80: {  	_ =	shalt  }
0x81: {  	_ =	shalt  }
0x82: {  	_ =	shalt  }
0x83: {  	_ =	shalt  }
0x84: {  	_ =	shalt  }
0x85: {  	_ =	shalt  }
0x86: {  	_ =	shalt  }
0x87: {  	_ =	shalt  }
.Lfunc_end0:
.L_simem_size_0:
called_computation.1_lowered:
.L_overlay_start_0:
0x88: {  	s2 =	sld [smem:$0x3FD9]  }
0x89: {  	s3 =	sld [smem:$0x3FFE];
	_ =	sdelay $0x1  }
0x8a: {  	s1 =	srdreg.scid  }
0x8b: {  	s0 =	sand.u32 $0x1, s1  }
0x8c: {  	s17 =	sshll.u32 s0, $0xA;
	s2 =	sadd.s32 s3, s2  }
0x8d: {  	s2 =	sadd.s32 s2, s17  }
0x8e: {  	[smem:$0x3FC4] =	sst s2  }
0x8f: {  	_ = 	snop  }
0x90: {  	s2 =	sld [smem:$0x3FC9]  }
0x91: {  	s18 =	sld [smem:$0x3FD0];
	(tm) =	ssettm $0x1  }
0x92: {  	s4 =	sld [smem:$0x3FFB];
	_ =	sdelay $0x3  }
0x93: {  	_ =	strace s4  }
0x94: {  	s4 =	sld [smem:$0x3FFC];
	_ =	sdelay $0x3  }
0x95: {  	_ =	strace s4  }
0x96: {  	s4 =	sld [smem:$0x3FFD];
	_ =	sdelay $0x3  }
0x97: {  	_ =	strace s4  }
0x98: {  	_ =	strace $0x8FFFFFFF  }
0x99: {  	s19 =	sld [smem:$0x3FDB];
	_ =	sdelay $0x1  }
0x9a: {  	s5 =	simm.s32 $_scs_section_size  }
0x9b: {  	s6 =	simm.s32 $_size__tile_overlayer_lowered;
	s7 =	simm.s32 $_tile_overlayer_lowered  }
0x9c: {  	s22 =	simm.s32 $0x1BFF;
	s21 =	sshll.u32 s7, $0x1;
	s4 =	sadd.s32 s5, s19  }
0x9d: {  	s8 =	simm.s32 $0x0;
	s20 =	sshll.u32 s6, $0x1;
	s6 =	sadd.s32 s21, s4  }
0x9e: {  	[timem:s8], [sflag:s22] =	dma.local [hbm:s6], s20  }
0x9f: {  	_ =	swait.ge [sflag:s22], s20  }
0xa0: {  	s5 =	ssub.s32 $0x0, s20;
	[sflag:s22] =	ssyncset.done $0x0  }
0xa1: {  	[sflag:s22] =	ssyncadd.s32 s5;
	_ =	sdelay $0x1  }
0xa2: {  	s23 =	simm.s32 $0x1B8B  }
0xa3: {  	_ =	swait.ge [sflag:s23], $0x1  }
0xa4: {  	[sflag:s23] =	ssyncset.done $0x0  }
0xa5: {  	s25 =	simm.s32 $0x1B8E;
	s24 =	sld [smem:$0x3FFE];
	[sflag:s23] =	ssyncadd.s32 $0xFFFFFFFF  }
0xa6: {  	s26 =	simm.s32 $execute0_lowered;
	[smem:$0x3FD2] =	sst s25  }
0xa7: {  	s6 =	sshll.u32 s26, $0x1;
	_ =	strace $0x80000049;
	[dreg:$0x1] =	wrdreg $0xFFFFFFFF  }
0xa8: {  	s28 =	simm.s32 $_size_execute0_lowered;
	s4 =	sadd.s32 s4, s6;
	[dreg:$0x0] =	wrdreg $0x0  }
0xa9: {  	s6 =	sshll.u32 s28, $0x1;
	[dreg:$0x2] =	wrdreg s4  }
0xaa: {  	[dreg:$0x3] =	wrdreg s6  }
0xab: {  	[dreg:$0x4] =	wrdreg $0xC0  }
0xac: {  	_ =	task [dreg:s8], $0x5FFFF  }
0xad: {  	[dreg:$0x1] =	wrdreg $0xFFFFFFFF  }
0xae: {  	[dreg:$0x0] =	wrdreg $0x60  }
0xaf: {  	[dreg:$0x2] =	wrdreg s2  }
0xb0: {  	[dreg:$0x3] =	wrdreg s24  }
0xb1: {  	[dreg:$0x4] =	wrdreg s18  }
0xb2: {  	[dreg:$0x5] =	wrdreg $0x0  }
0xb3: {  	[dreg:$0x6] =	wrdreg $0x9  }
0xb4: {  	_ =	task.clear_ibuf [dreg:s8], $0x7FFFF;
	_ =	strace $0x90000049  }
0xb5: {  	s29 =	simm.s32 $0x9;
	_ =	strace $0x8000004B  }
0xb6: {  	_ =	swait.ge [sflag:s29], $0x1  }
0xb7: {  	[sflag:s29] =	ssyncadd.s32 $0xFFFFFFFF  }
0xb8: {  	_ =	strace $0x9000004B  }
0xb9: {  	_ =	sfence  }
0xba: {  	s30 =	sld [smem:$0x0];
	_ =	sdelay $0x2  }
0xbb: {  	s31 =	sshll.u32 s1, $0xD;
	s1 =	sshrl.u32 s1, $0x2  }
0xbc: {  	s3 =	sand.u32 $0x4000, s31;
	s1 =	sadd.s32 s1, s30  }
0xbd: {  	s0 =	sor.u32 s3, s0;
	s1 =	sshll.u32 s1, $0x11  }
0xbe: {  	s0 =	sor.u32 s1, s0  }
0xbf: {  	s0 =	sadd.s32 $0x8F2B, s0  }
0xc0: {  	[sflag:s0] =	ssyncadd.remote.s32 $0x1  }
0xc1: {  	_ =	sfence.sel $0xFFFF  }
0xc2: {  	[dreg:$0x0] =	wrdreg $0xFFFFFFFF;
	(pc) =	sbr.abs _section_cstart, $3  }
0xc3: {  	[dreg:$0x1] =	wrdreg $0xFFFFFFFF  }
0xc4: {  	_ =	task.clear_ibuf [dreg:s8], $0x2FFFF;
	_ =	strace $0x9FFFFFFF  }
0xc5: {  	(tm) =	ssettm $0x7FFFFFFF  }
tec
execute0_lowered:
.L_overlay_start_1:
0x0: {  	(tag) =	ssettag $0x1  }
0x1: {  	s1 =	rddreg [dreg:$0x0]  }
0x2: {  	s0 =	srdreg.scid;
	s2 =	rddreg [dreg:$0x1]  }
0x3: {  	s15 =	stileid.u32;
	s10 =	rddreg [dreg:$0x2];
	s16 =	simm.s32 $0x16780  }
0x4: {  	s17 =	simm.s32 $0x18F00;
	s18 =	simm.s32 $0x1;
	s19 =	simm.s32 $0x1B700  }
0x5: {  	s20 =	simm.s32 $0x40;
	s21 =	simm.s32 $0x1F700;
	s22 =	simm.s32 $0x4  }
0x6: {  	s23 =	simm.s32 $0x3;
	s24 =	simm.s32 $0x0;
	s7 =	smul.u32 $0x14000, s15  }
0x7: {  	s0 =	sand.u32 $0x1, s0;
	s31 =	sadd.s32 $0xB800, s2;
	s12 =	smul.u32 $0x50000, s15  }
0x8: {  	s3 =	sshll.u32 s0, $0x4;
	s6 =	smul.u32 $0x140000, s0;
	s8 =	ssub.s32 $0x2, s0  }
0x9: {  	s0 =	smul.u32 $0x27100, s0;
	s4 =	sor.u32 s15, s3;
	s3 =	rddreg [dreg:$0x3]  }
0xa: {  	s13 =	sshrl.u32 s8, $0x1;
	s30 =	sshrl.u32 s12, $0x2;
	s5 =	smul.u32 $0x2710, s4  }
0xb: {  	s4 =	simm.s32 $0x0;
	s7 =	sadd.s32 s7, s6;
	s13 =	ssub.s32 s8, s13  }
0xc: {  	s14 =	sadd.s32 s30, s3;
	[smem:$0x7FF] =	sst s4;
	s7 =	sshrl.u32 s7, $0x3  }
0xd: {  	s14 =	sshrl.u32 s14, $0x3;
	s11 =	sshrl.u32 s5, $0x3;
	_ =	strace $0x8000004A  }
.Ltmp0:
0xe: {  	s5 =	sadd.s32 $0xBE00, s2;
	s9 =	sadd.s32 s11, s2;
	(pc) =	sbr.rel .LBB2_1-.Ltmp0, $4  }
0xf: {  	s2 =	sadd.s32 s7, s2;
	s7 =	sshll.u32 s15, $0x6;
	s15 =	smul.u32 $0x2710, s15  }
0x10: {  	s10 =	sadd.s32 s10, s11;
	s11 =	smax.u32 s13, $0x1;
	[dreg:$0x6] =	wrdreg s5  }
0x11: {  	s8 =	sor.u32 $0x1C01, s7;
	s6 =	sadd.s32 $0x1400, s9;
	s12 =	sadd.s32 $0xE600, s2  }
0x12: {  	v0 =	vlaneseq.u32;
	v1 =	vimm.s32 $0x0;
	v2 =	vimm.s32 $0x2710;
	s9 =	simm.s32 $0x14000;
	s13 =	sadd.s32 s15, s0;
	[dreg:$0x5] =	wrdreg s6  }
.LBB2_5:
0x13: {  	_ = 	snop  }
.LBB2_10:
0x14: {  	p0 =	por p0, !p1  }
0x15: {  	s0 =	sadd.s32 @!p3 $0xFFFFFFC0, s29;
	[sflag:s15] =	ssyncset.done @!p0 $0x0  }
0x16: {  	s2 =	simm.s32 @!p3 $0x40;
	s5 =	simm.s32 @!p3 $0x1D700;
	[sflag:s15] =	ssyncadd.s32 @!p0 $0xFFFFE000  }
0x17: {  	[tilespmem:s5], [sflag:$0x2] =	stream.indirect.gather @!p3 [hbm4b:s1+s2], $0x80, s0, s2, $0xb8;
	[tilespmem:$0x1F800] =	vst v63  }
0x18: {  	v3 =	vld [tilespmem:s28+$0xFFFFFFE0];
	_ =	sdelay $0x4  }
0x19: {  	[tilespmem:$0x1F700] =	vst v3  }
0x1a: {  	v3 =	vld [tilespmem:s28+$0xFFFFFFF0];
	_ =	sdelay $0x4  }
0x1b: {  	[tilespmem:$0x1F710] =	vst v3  }
0x1c: {  	v3 =	vld [tilespmem:s28+$0x0];
	_ =	sdelay $0x4  }
0x1d: {  	[tilespmem:$0x1F720] =	vst v3  }
0x1e: {  	v3 =	vld [tilespmem:s28+$0x10];
	_ =	sdelay $0x4  }
0x1f: {  	[tilespmem:$0x1F730] =	vst v3  }
0x20: {  	_ =	swait.ge [sflag:s18], $0x2000  }
0x21: {  	[sflag:s18] =	ssyncset.done $0x0  }
0x22: {  	p0 =	por p3, p3;
	[sflag:s18] =	ssyncadd.s32 $0xFFFFE000  }
0x23: {  	[spmem:s3] =	stream.indirect.scatter.add.f32 [tilespmem:s19], [sflag:$0x4], $0x80, s21, s20, $0xb8;
	[tilespmem:$0x1F800] =	vst v63  }
0x24: {  	p1 =	sge.s32 @!p0 s30, s26;
	_ =	swait.ge [sflag:s22], $0x2000  }
0x25: {  	p1 =	por p1, p0;
	[sflag:s22] =	ssyncset.done $0x0  }
0x26: {  	s0 =	simm.s32 @!p1 $0x40;
	s6 =	simm.s32 @!p1 $0x1B700;
	[sflag:s22] =	ssyncadd.s32 $0xFFFFE000  }
0x27: {  	[tilespmem:s6], [sflag:$0x1] =	stream.indirect.gather @!p1 [hbm4b:s1+s0], $0x80, s29, s0, $0xb8;
	[tilespmem:$0x1F800] =	vst v63  }
0x28: {  	v3 =	vld @!p0 [tilespmem:s28+$0x20];
	_ =	sdelay $0x4  }
0x29: {  	s0 =	sor.u32 @!p0 $0x50, s25;
	[tilespmem:$0x1F780] =	vst @!p0 v3  }
0x2a: {  	v3 =	vld @!p0 [tilespmem:s0+$0x16780];
	_ =	sdelay $0x4  }
0x2b: {  	s0 =	sor.u32 @!p0 $0x60, s25;
	[tilespmem:$0x1F790] =	vst @!p0 v3  }
0x2c: {  	v3 =	vld @!p0 [tilespmem:s0+$0x16780];
	_ =	sdelay $0x4  }
0x2d: {  	s0 =	sor.u32 @!p0 $0x70, s25;
	[tilespmem:$0x1F7A0] =	vst @!p0 v3  }
0x2e: {  	v3 =	vld @!p0 [tilespmem:s0+$0x16780];
	_ =	sdelay $0x4  }
0x2f: {  	s0 =	simm.s32 @!p0 $0x2;
	[tilespmem:$0x1F7B0] =	vst @!p0 v3  }
0x30: {  	_ =	swait.ge @!p0 [sflag:s0], $0x2000  }
0x31: {  	[sflag:s0] =	ssyncset.done @!p0 $0x0  }
0x32: {  	s6 =	simm.s32 @!p0 $0x3;
	[sflag:s0] =	ssyncadd.s32 @!p0 $0xFFFFE000;
	s0 =	simm.s32 @!p0 $0x1F780  }
0x33: {  	[spmem:s3] =	stream.indirect.scatter.add.f32 @!p0 [tilespmem:s5], [sflag:$0x3], $0x80, s0, s2, $0xb8;
	[tilespmem:$0x1F800] =	vst v63  }
0x34: {  	_ =	swait.ge @!p0 [sflag:s6], $0x2000  }
0x35: {  	[sflag:s6] =	ssyncset.done @!p0 $0x0;
	s5 =	rddreg [dreg:$0x6]  }
0x36: {  	[sflag:s6] =	ssyncadd.s32 @!p0 $0xFFFFE000;
	s6 =	rddreg [dreg:$0x5]  }
.LBB2_11:
0x37: {  	s24 =	sadd.s32 $0x1, s24  }
0x38: {  	p0 =	sne.s32 s24, s11  }
.Ltmp1:
0x39: {  	[bflag:$0x0] =	sbarrier.arrive $0xFFFF;
	s0 =	sor.u32 $0x1C03, s7;
	(pc) =	sbr.rel @!p0 .LBB2_12-.Ltmp1, $4  }
0x3a: {  	[hbm:s12], [sflag:s0] =	dma.local [spmem:s14], $0x2800  }
0x3b: {  	_ =	swait.ge [sflag:s23], $0x2800  }
0x3c: {  	[sflag:s23] =	ssyncset.done $0x0  }
0x3d: {  	[sflag:s23] =	ssyncadd.s32 $0xFFFFD800  }
.LBB2_1:
0x3e: {  	[spmem:s14], [sflag:s8] =	dma.local [hbm:s5], $0x2800  }
0x3f: {  	[tilespmem:s9], [sflag:$0x1] =	stream.linear.gather [hbm4b:s6+s4], $0x2710, $0x38;
	[tilespmem:$0x1F800] =	vst v63  }
0x40: {  	_ = 	snop  }
0x41: {  	[tilespmem:s16], [sflag:$0x1] =	stream.linear.gather [hbm4b:s10+s4], $0x2710, $0x38;
	[tilespmem:$0x1F800] =	vst v63  }
0x42: {  	_ = 	snop  }
0x43: {  	[tilespmem:s17], [sflag:$0x1] =	stream.linear.gather [hbm4b:s31+s4], $0x2800, $0x38;
	[tilespmem:$0x1F800] =	vst v63  }
0x44: {  	_ =	swait.ge [sflag:s18], $0x2800  }
0x45: {  	[sflag:s18] =	ssyncset.done $0x0  }
0x46: {  	[sflag:s18] =	ssyncadd.s32 $0xFFFFD800  }
0x47: {  	_ =	swait.ge [sflag:s18], $0x2710  }
0x48: {  	[sflag:s18] =	ssyncset.done $0x0  }
0x49: {  	[sflag:s18] =	ssyncadd.s32 $0xFFFFD8F0  }
0x4a: {  	_ =	swait.ge [sflag:s18], $0x2710  }
0x4b: {  	[sflag:s18] =	ssyncset.done $0x0  }
0x4c: {  	[sflag:s18] =	ssyncadd.s32 $0xFFFFD8F0  }
0x4d: {  	_ =	swait.ge [sflag:s18], $0x2800  }
0x4e: {  	[sflag:s18] =	ssyncset.done $0x0  }
0x4f: {  	[sflag:s18] =	ssyncadd.s32 $0xFFFFD800  }
0x50: {  	s0 =	simm.s32 $0x0;
	[bflag:$0x0] =	sbarrier.arrive $0xFFFF  }
0x51: {  	v3 =	vld [tilespmem:s0+$0x16780];
	_ =	sdelay $0x7  }
0x52: {  	v4 =	vld.idx.msk [tilespmem:v3+s17+$0x0], $0xffff;
	_ =	sdelay $0x3  }
0x53: {  	v6 =	vor.u32 s13, v0  }
0x54: {  	v5 =	vld [tilespmem:s0+$0x14000];
	vm0 =	vlt.s32 v6, v4  }
0x55: {  	v4 =	vsel vm0, $0x1, v1  }
0x56: {  	(xrf0) =	vadd.scan.msk.s32 $0xffff, v4;
	_ =	sdelay $0x2  }
0x57: {  	s2 =	simm.s32 $0x10;
	[tilespmem:s4+$0x14000] =	vst.msk vm0, v5  }
0x58: {  	s26 =	simm.s32 $0x80;
	s25 =	smov.u32 s13;
	s0 =	simm.s32 $0x0;
	[tilespmem:s4+$0x16780] =	vst.msk vm0, v3  }
.LBB2_2:
0x59: {  	p0 =	sne.s32 s26, $0x9C00;
	v3 =	vld [tilespmem:s2+$0x16780]  }
0x5a: {  	v4, _, _ =	vpop (xrf0)  }
0x5b: {  	(v2sf) =	vpush v4, $0xF;
	_ =	sdelay $0x5  }
0x5c: {  	v4 =	vld.idx.msk [tilespmem:v3+s17+$0x0], $0xffff;
	_ =	sdelay $0x3  }
0x5d: {  	s25 =	sadd.s32 $0x10, s25  }
0x5e: {  	v5 =	vor.u32 s25, v0  }
0x5f: {  	vm0 =	vlt.s32 v5, v4;
	v4 =	vld [tilespmem:s2+$0x14000]  }
0x60: {  	v5 =	vsel vm0, $0x1, v1  }
.Ltmp2:
0x61: {  	(xrf0) =	vadd.scan.msk.s32 $0xffff, v5;
	(pc) =	sbr.rel @p0 .LBB2_2-.Ltmp2, $4  }
0x62: {  	s2 =	spop (v2sf)  }
0x63: {  	s0 =	sadd.s32 s0, s2  }
0x64: {  	[tilespmem:s0+$0x14000] =	vst.msk vm0, v4  }
0x65: {  	s2 =	sshra.s32 s26, $0x2;
	s26 =	sadd.s32 $0x40, s26;
	[tilespmem:s0+$0x16780] =	vst.msk vm0, v3  }
0x66: {  	v3 =	vld [tilespmem:s2+$0x16780];
	_ =	sdelay $0x7  }
0x67: {  	v4 =	vld.idx.msk [tilespmem:v3+s17+$0x0], $0xffff;
	_ =	sdelay $0x2  }
0x68: {  	s15 =	sadd.s32 $0x10, s25  }
0x69: {  	v5 =	vor.u32 s15, v0  }
0x6a: {  	vm0 =	vlt.s32 v5, v4  }
0x6b: {  	v4 =	vsel vm0, $0x1, v1  }
0x6c: {  	(xrf0) =	vadd.scan.msk.s32 $0xffff, v4;
	_ =	sdelay $0x4  }
0x6d: {  	v59, _, _ =	vpop (xrf0)  }
0x6e: {  	(v2sf) =	vpush v59, $0xF;
	v60, _, _ =	vpop (xrf0)  }
0x6f: {  	(v2sf) =	vpush v60, $0xF;
	_ =	sdelay $0xd  }
0x70: {  	v61 =	vld [tilespmem:s2+$0x14000];
	s30 =	spop (v2sf)  }
0x71: {  	s0 =	sadd.s32 s0, s30;
	s25 =	spop (v2sf)  }
0x72: {  	s2 =	sadd.s32 s0, s25  }
0x73: {  	v62 =	vadd.s32 s2, v0;
	s26 =	sadd.s32 $0x10, s2  }
0x74: {  	s28 =	sadd.s32 $0x20, s2;
	v6 =	vadd.s32 s26, v0  }
0x75: {  	[tilespmem:s0+$0x14000] =	vst.msk vm0, v61;
	s29 =	sadd.s32 $0x30, s2;
	v7 =	vadd.s32 s28, v0  }
0x76: {  	[tilespmem:s0+$0x16780] =	vst.msk vm0, v3;
	s30 =	sadd.s32 $0x40, s2;
	s0 =	sadd.s32 $0x3F, s2;
	v63 =	vadd.s32 s29, v0  }
0x77: {  	v3 =	vadd.s32 s30, v0;
	p0 =	slt.s32 s0, $0x40  }
.Ltmp3:
0x78: {  	[tilespmem:v62+s16+$0x0] =	vst.idx.msk $0xffff, v2;
	(pc) =	sbr.rel @p0 .LBB2_11-.Ltmp3, $4  }
0x79: {  	[tilespmem:v6+s16+$0x0] =	vst.idx.msk $0xffff, v2  }
0x7a: {  	[tilespmem:v7+s16+$0x0] =	vst.idx.msk $0xffff, v2  }
0x7b: {  	[tilespmem:v63+s16+$0x0] =	vst.idx.msk $0xffff, v2  }
0x7c: {  	[tilespmem:v3+s16+$0x0] =	vst.idx.msk $0xffff, v2  }
0x7d: {  	s2 =	sshra.s32 s0, $0x1F  }
0x7e: {  	s2 =	sshrl.u32 s2, $0x1A  }
0x7f: {  	s26 =	sadd.s32 s2, s0  }
0x80: {  	s26 =	sshra.s32 s26, $0x6  }
0x81: {  	s0 =	sadd.s32 $0x1, s26  }
0x82: {  	s0 =	sshrl.u32 s0, $0x1  }
0x83: {  	s0 =	smax.u32 s0, $0x1  }
0x84: {  	s0 =	sadd.s32 $0xFFFFFFFF, s0  }
0x85: {  	p0 =	sne.s32 s0, $0x0  }
.Ltmp4:
0x86: {  	_ = 	snop;
	(pc) =	sbr.rel @!p0 .LBB2_5-.Ltmp4, $4  }
0x87: {  	_ = 	snop  }
0x88: {  	s25 =	simm.s32 $0x40;
	s30 =	simm.s32 $0x2;
	s29 =	simm.s32 $0x14080  }
0x89: {  	[tilespmem:s19], [sflag:$0x1] =	stream.indirect.gather [hbm4b:s1+s25], $0x80, s9, s25, $0xb8;
	[tilespmem:$0x1F800] =	vst v63  }
0x8a: {  	s28 =	simm.s32 $0x167A0;
	p1 =	por $0x0, $0x0;
	p3 =	sle.s32 s26, $0x1  }
0x8b: {  	s2 =	simm.s32 @!p3 $0x14040;
	s15 =	simm.s32 @!p3 $0x40;
	s30 =	simm.s32 @!p3 $0x1D700  }
0x8c: {  	[tilespmem:s30], [sflag:$0x2] =	stream.indirect.gather @!p3 [hbm4b:s1+s15], $0x80, s2, s15, $0xb8;
	[tilespmem:$0x1F800] =	vst v63  }
0x8d: {  	v3 =	vld [tilespmem:s28+$0xFFFFFFE0];
	_ =	sdelay $0x4  }
0x8e: {  	[tilespmem:$0x1F700] =	vst v3  }
0x8f: {  	v3 =	vld [tilespmem:s28+$0xFFFFFFF0];
	_ =	sdelay $0x4  }
0x90: {  	[tilespmem:$0x1F710] =	vst v3  }
0x91: {  	v3 =	vld [tilespmem:s28+$0x0];
	_ =	sdelay $0x4  }
0x92: {  	[tilespmem:$0x1F720] =	vst v3  }
0x93: {  	v3 =	vld [tilespmem:s28+$0x10];
	_ =	sdelay $0x4  }
0x94: {  	[tilespmem:$0x1F730] =	vst v3  }
0x95: {  	_ =	swait.ge [sflag:s18], $0x2000  }
0x96: {  	s9 =	smov.u32 s11;
	s11 =	smov.u32 s12;
	[sflag:s18] =	ssyncset.done $0x0  }
0x97: {  	s12 =	smov.u32 s10;
	p0 =	por p3, p3;
	[sflag:s18] =	ssyncadd.s32 $0xFFFFE000  }
0x98: {  	[spmem:s3] =	stream.indirect.scatter.add.f32 [tilespmem:s19], [sflag:$0x4], $0x80, s21, s20, $0xb8;
	[tilespmem:$0x1F800] =	vst v63  }
0x99: {  	s10 =	smov.u32 s8;
	p1 =	sle.s32 @!p0 s26, $0x2;
	_ =	swait.ge [sflag:s22], $0x2000  }
0x9a: {  	s8 =	smov.u32 s31;
	p1 =	por p1, p0;
	[sflag:s22] =	ssyncset.done $0x0  }
0x9b: {  	s2 =	simm.s32 @!p1 $0x40;
	s31 =	simm.s32 @!p1 $0x1B700;
	[sflag:s22] =	ssyncadd.s32 $0xFFFFE000  }
0x9c: {  	[tilespmem:s31], [sflag:$0x1] =	stream.indirect.gather @!p1 [hbm4b:s1+s2], $0x80, s29, s2, $0xb8;
	[tilespmem:$0x1F800] =	vst v63  }
0x9d: {  	v3 =	vld @!p0 [tilespmem:s28+$0x20];
	_ =	sdelay $0x4  }
0x9e: {  	s2 =	sor.u32 @!p0 $0x50, s25;
	[tilespmem:$0x1F780] =	vst @!p0 v3  }
0x9f: {  	v3 =	vld @!p0 [tilespmem:s2+$0x16780];
	_ =	sdelay $0x4  }
0xa0: {  	s2 =	sor.u32 @!p0 $0x60, s25;
	[tilespmem:$0x1F790] =	vst @!p0 v3  }
0xa1: {  	v3 =	vld @!p0 [tilespmem:s2+$0x16780];
	_ =	sdelay $0x4  }
0xa2: {  	s2 =	sor.u32 @!p0 $0x70, s25;
	[tilespmem:$0x1F7A0] =	vst @!p0 v3  }
0xa3: {  	v3 =	vld @!p0 [tilespmem:s2+$0x16780];
	_ =	sdelay $0x4  }
0xa4: {  	s31 =	sadd.s32 $0xFFFFFFFF, s0;
	s2 =	simm.s32 @!p0 $0x2;
	[tilespmem:$0x1F7B0] =	vst @!p0 v3  }
0xa5: {  	p2 =	sne.s32 s31, $0x0;
	_ =	swait.ge @!p0 [sflag:s2], $0x2000  }
.Ltmp5:
0xa6: {  	p3 =	sle.s32 s26, $0x3;
	[sflag:s2] =	ssyncset.done @!p0 $0x0;
	(pc) =	sbr.rel @!p2 .LBB2_7-.Ltmp5, $4  }
0xa7: {  	s0 =	simm.s32 @!p0 $0x1F780;
	s29 =	simm.s32 $0x14100;
	[sflag:s2] =	ssyncadd.s32 @!p0 $0xFFFFE000  }
0xa8: {  	[spmem:s3] =	stream.indirect.scatter.add.f32 @!p0 [tilespmem:s30], [sflag:$0x3], $0x80, s0, s15, $0xb8;
	[tilespmem:$0x1F800] =	vst v63  }
0xa9: {  	p1 =	por $0x1, $0x1;
	s28 =	simm.s32 $0x16820;
	s15 =	simm.s32 @!p0 $0x3  }
0xaa: {  	s25 =	simm.s32 $0xC0;
	s30 =	simm.s32 $0x4;
	_ =	swait.ge @!p0 [sflag:s15], $0x2000  }
.LBB2_8:
0xab: {  	s5 =	sadd.s32 @!p3 $0xFFFFFFC0, s29;
	s2 =	simm.s32 @!p3 $0x40;
	[sflag:s15] =	ssyncset.done @!p0 $0x0  }
0xac: {  	s31 =	sadd.s32 $0xFFFFFFFF, s31;
	s0 =	simm.s32 @!p3 $0x1D700;
	[sflag:s15] =	ssyncadd.s32 @!p0 $0xFFFFE000  }
0xad: {  	[tilespmem:s0], [sflag:$0x2] =	stream.indirect.gather @!p3 [hbm4b:s1+s2], $0x80, s5, s2, $0xb8;
	[tilespmem:$0x1F800] =	vst v63  }
0xae: {  	p2 =	sne.s32 s31, $0x0;
	p0 =	por p3, p3;
	v3 =	vld [tilespmem:s28+$0xFFFFFFE0];
	_ =	sdelay $0x4  }
0xaf: {  	[tilespmem:$0x1F700] =	vst v3  }
0xb0: {  	v3 =	vld [tilespmem:s28+$0xFFFFFFF0];
	_ =	sdelay $0x4  }
0xb1: {  	[tilespmem:$0x1F710] =	vst v3  }
0xb2: {  	v3 =	vld [tilespmem:s28+$0x0];
	_ =	sdelay $0x4  }
0xb3: {  	[tilespmem:$0x1F720] =	vst v3  }
0xb4: {  	v3 =	vld [tilespmem:s28+$0x10];
	_ =	sdelay $0x4  }
0xb5: {  	[tilespmem:$0x1F730] =	vst v3  }
0xb6: {  	_ =	swait.ge [sflag:s18], $0x2000  }
0xb7: {  	[sflag:s18] =	ssyncset.done $0x0  }
0xb8: {  	[sflag:s18] =	ssyncadd.s32 $0xFFFFE000  }
0xb9: {  	[spmem:s3] =	stream.indirect.scatter.add.f32 [tilespmem:s19], [sflag:$0x4], $0x80, s21, s20, $0xb8;
	[tilespmem:$0x1F800] =	vst v63  }
0xba: {  	p3 =	sge.s32 @!p0 s30, s26;
	_ =	swait.ge [sflag:s22], $0x2000  }
0xbb: {  	p3 =	por p3, p0;
	[sflag:s22] =	ssyncset.done $0x0  }
0xbc: {  	s5 =	simm.s32 @!p3 $0x40;
	s15 =	simm.s32 @!p3 $0x1B700;
	[sflag:s22] =	ssyncadd.s32 $0xFFFFE000  }
0xbd: {  	[tilespmem:s15], [sflag:$0x1] =	stream.indirect.gather @!p3 [hbm4b:s1+s5], $0x80, s29, s5, $0xb8;
	[tilespmem:$0x1F800] =	vst v63  }
0xbe: {  	v3 =	vld @!p0 [tilespmem:s28+$0x20];
	_ =	sdelay $0x4  }
0xbf: {  	s5 =	sor.u32 @!p0 $0x50, s25;
	[tilespmem:$0x1F780] =	vst @!p0 v3  }
0xc0: {  	v3 =	vld @!p0 [tilespmem:s5+$0x16780];
	_ =	sdelay $0x4  }
0xc1: {  	s5 =	sor.u32 @!p0 $0x60, s25;
	[tilespmem:$0x1F790] =	vst @!p0 v3  }
0xc2: {  	v3 =	vld @!p0 [tilespmem:s5+$0x16780];
	_ =	sdelay $0x4  }
0xc3: {  	s5 =	sor.u32 @!p0 $0x70, s25;
	[tilespmem:$0x1F7A0] =	vst @!p0 v3  }
0xc4: {  	v3 =	vld @!p0 [tilespmem:s5+$0x16780];
	_ =	sdelay $0x4  }
0xc5: {  	s28 =	sadd.s32 $0x80, s28;
	s5 =	simm.s32 @!p0 $0x2;
	[tilespmem:$0x1F7B0] =	vst @!p0 v3  }
.Ltmp6:
0xc6: {  	s25 =	sadd.s32 $0x80, s25;
	_ =	swait.ge @!p0 [sflag:s5], $0x2000;
	(pc) =	sbr.rel @p2 .LBB2_8-.Ltmp6, $4  }
0xc7: {  	s30 =	sadd.s32 $0x2, s30;
	s15 =	simm.s32 @!p0 $0x3;
	[sflag:s5] =	ssyncset.done @!p0 $0x0  }
0xc8: {  	s6 =	sadd.s32 $0xFFFFFFFF, s30;
	[sflag:s5] =	ssyncadd.s32 @!p0 $0xFFFFE000;
	s5 =	simm.s32 @!p0 $0x1F780  }
0xc9: {  	[spmem:s3] =	stream.indirect.scatter.add.f32 @!p0 [tilespmem:s0], [sflag:$0x3], $0x80, s5, s2, $0xb8;
	[tilespmem:$0x1F800] =	vst v63  }
0xca: {  	p3 =	sge.s32 s6, s26;
	s29 =	sadd.s32 $0x80, s29;
	_ =	swait.ge @!p0 [sflag:s15], $0x2000  }
.Ltmp7:
0xcb: {  	(pc) =	sbr.rel .LBB2_10-.Ltmp7, $3  }
0xcc: {  	_ =	sdelay $0x1  }
0xcd: {  	s31 =	smov.u32 s8;
	s8 =	smov.u32 s10;
	s10 =	smov.u32 s12  }
0xce: {  	s12 =	smov.u32 s11;
	s11 =	smov.u32 s9;
	s9 =	simm.s32 $0x14000  }
.LBB2_7:
.Ltmp8:
0xcf: {  	(pc) =	sbr.rel .LBB2_10-.Ltmp8, $3  }
0xd0: {  	_ =	sdelay $0x1  }
0xd1: {  	s31 =	smov.u32 s8;
	s8 =	smov.u32 s10;
	s10 =	smov.u32 s12  }
0xd2: {  	s12 =	smov.u32 s11;
	s11 =	smov.u32 s9;
	s9 =	simm.s32 $0x14000  }
.LBB2_12:
0xd3: {  	_ =	sfence.sel $0x180000  }
0xd4: {  	[bflag:$0x0] =	sbarrier.arrive $0xFFFF  }
0xd5: {  	_ =	strace $0x9000004A  }
0xd6: {  	s0 =	stileid.u32;
	[bflag:$0x2] =	sbarrier.arrive $0xFFFF  }
0xd7: {  	p0 =	sne.s32 s0, $0x0;
	s0 =	rddreg [dreg:$0x4]  }
0xd8: {  	s0 =	sadd.s32 @!p0 $0x100000, s0  }
0xd9: {  	[sflag:s0] =	ssyncadd.tile.s32 @!p0 $0x1;
	_ =	shalt  }
.Lfunc_end2:
_tile_overlayer_lowered:
.L_overlay_start_2:
0xda: {  	(tag) =	ssettag $0x2  }
0xdb: {  	s0 =	rddreg [dreg:$0x0];
	s2 =	stileid.u32  }
0xdc: {  	s1 =	rddreg [dreg:$0x1];
	p0 =	sne.s32 s2, $0x0  }
0xdd: {  	s3 =	rddreg [dreg:$0x2];
	[bflag:$0x3] =	sbarrier.arrive $0xFFFF;
	s2 =	simm.s32 @!p0 $0x1C03  }
0xde: {  	[timem:s3], [sflag:s2] =	dma.local @!p0 [hbm:s0], s1  }
0xdf: {  	s0 =	simm.s32 @!p0 $0x3  }
0xe0: {  	_ =	swait.ge @!p0 [sflag:s0], s1  }
0xe1: {  	s1 =	ssub.s32 @!p0 $0x0, s1;
	[sflag:s0] =	ssyncset.done @!p0 $0x0  }
0xe2: {  	[sflag:s0] =	ssyncadd.s32 @!p0 s1  }
0xe3: {  	[bflag:$0x3] =	sbarrier.arrive $0xFFFF  }
0xe4: {  	_ =	shalt  }

</sc_bundles>
